<compile_context>
chip_gen: v7x
topology: tpu7x:2x2x1
jax: 0.10.2.dev20260603
libtpu: 0.0.44.dev20260713+nightly
codegen_flags: <defaults>
</compile_context>

<pallas_src>
import functools

import jax
import jax.numpy as jnp
from jax import lax
from jax.experimental import pallas as pl
from jax.experimental.pallas import tpu as pltpu
from jax.experimental.pallas import tpu_sc as plsc

_B = 8
_BSC = 4
_N = 2048
_LANES = 16
_BL = 32
_NSC = 16
_QBLK = 8
_WPB = 8
_QPW = _N // _WPB
_CHUNKS = _N // _BL
_QB_TC = 1024

_MESH = plsc.VectorSubcoreMesh(core_axis_name="c", subcore_axis_name="s")


@functools.partial(
    pl.kernel,
    out_type=jax.ShapeDtypeStruct((2 * _NSC, _LANES), jnp.float32),
    mesh=_MESH,
    compiler_params=pltpu.CompilerParams(use_tc_tiling_on_sc=False,
                                         needs_layout_passes=False),
    scratch_types=[
        pltpu.VMEM((3, _N), jnp.int32),
        pltpu.VMEM((3, _N), jnp.bfloat16),
        pltpu.VMEM((_N,), jnp.bfloat16),
        pltpu.VMEM(((_WPB - 1) * _N,), jnp.bfloat16),
        pltpu.VMEM((_LANES,), jnp.float32),
        pltpu.VMEM_SHARED((_NSC * _N,), jnp.bfloat16),
    ],
)
def _chamfer_sc(a1_hbm, a2_hbm, out_hbm, q_v, t_v, c_v, nb_v, acc_v,
                shared_v):
    cid = lax.axis_index("c")
    sid = lax.axis_index("s")
    w = cid * _NSC + sid
    b = w // _WPB
    r = w % _WPB

    pltpu.sync_copy(a2_hbm.at[b], q_v)
    pltpu.sync_copy(a1_hbm.at[b], t_v)

    inf_b = jnp.full((_BL,), jnp.inf, jnp.bfloat16)
    lane = lax.iota(jnp.int32, _LANES)
    perms = [lax.bitwise_xor(lane, jnp.int32(1 << k)) for k in range(4)]

    def _hmin(v):
        for p in perms:
            v = jnp.minimum(v, v.at[p].get(mode="promise_in_bounds"))
        return v

    def _hsum(v):
        for p in perms:
            v = v + v.at[p].get(mode="promise_in_bounds")
        return v

    def _splat_bf(x):
        return plsc.bitcast(jnp.full((_LANES,), x), jnp.bfloat16)

    def _unpack_f32(v):
        bits = plsc.bitcast(v, jnp.int32)
        hi = plsc.bitcast(jnp.bitwise_and(bits, jnp.int32(-65536)),
                          jnp.float32)
        lo = plsc.bitcast(lax.shift_left(bits, 16), jnp.float32)
        return lo, hi

    def init_body(i, carry):
        c_v[pl.ds(i * _BL, _BL)] = inf_b
        return carry

    lax.fori_loop(0, _CHUNKS, init_body, 0)

    qbase = r * _QPW

    def qblock_body(qb, acc):
        qoff = qbase + qb * _LANES
        qxv = q_v[0, pl.ds(qoff, _LANES)]
        qyv = q_v[1, pl.ds(qoff, _LANES)]
        qzv = q_v[2, pl.ds(qoff, _LANES)]
        for half in range(2):
            qx = [_splat_bf(qxv[half * _QBLK + u]) for u in range(_QBLK)]
            qy = [_splat_bf(qyv[half * _QBLK + u]) for u in range(_QBLK)]
            qz = [_splat_bf(qzv[half * _QBLK + u]) for u in range(_QBLK)]

            def chunk_body(tt, mins):
                sl = pl.ds(tt * _BL, _BL)
                txv = t_v[0, sl]
                tyv = t_v[1, sl]
                tzv = t_v[2, sl]
                cv = c_v[sl]
                out = []
                for u in range(_QBLK):
                    dx = txv - qx[u]
                    dy = tyv - qy[u]
                    dz = tzv - qz[u]
                    d = dx * dx + dy * dy + dz * dz
                    out.append(jnp.minimum(mins[u], d))
                    cv = jnp.minimum(cv, d)
                c_v[sl] = cv
                return tuple(out)

            mins = lax.fori_loop(0, _CHUNKS, chunk_body, (inf_b,) * _QBLK)
            for u in range(_QBLK):
                ma, mb = _unpack_f32(mins[u])
                acc = acc + _hmin(jnp.minimum(ma, mb))
        return acc

    acc = lax.fori_loop(0, _QPW // _LANES, qblock_body,
                        jnp.zeros((_LANES,), jnp.float32))

    pltpu.sync_copy(c_v, shared_v.at[pl.ds(sid * _N, _N)])
    plsc.subcore_barrier()

    @pl.when(r == 0)
    def _():
        for k in range(_WPB - 1):
            pltpu.sync_copy(shared_v.at[pl.ds((sid + 1 + k) * _N, _N)],
                            nb_v.at[pl.ds(k * _N, _N)])

        def merge_body(i, csum):
            t0 = i * _BL
            cm = c_v[pl.ds(t0, _BL)]
            for k in range(_WPB - 1):
                cm = jnp.minimum(cm, nb_v[pl.ds(k * _N + t0, _BL)])
            ca, cb = _unpack_f32(cm)
            return csum + (ca + cb)

        csum = lax.fori_loop(0, _CHUNKS, merge_body,
                             jnp.zeros((_LANES,), jnp.float32))
        acc_v[...] = acc + _hsum(csum)

    @pl.when(r != 0)
    def _():
        acc_v[...] = acc

    pltpu.sync_copy(acc_v, out_hbm.at[w])


def _tc_body(a1_ref, a2_ref, row_ref, col_ref, cmin_ref):
    bb = pl.program_id(0)
    j = pl.program_id(1)
    tx = a1_ref[0, 0, :][None, :]
    ty = a1_ref[0, 1, :][None, :]
    tz = a1_ref[0, 2, :][None, :]
    qx = a2_ref[0, 0, :][:, None]
    qy = a2_ref[0, 1, :][:, None]
    qz = a2_ref[0, 2, :][:, None]
    dx = qx - tx
    dy = qy - ty
    dz = qz - tz
    dist = dx * dx + dy * dy + dz * dz
    row_ref[bb, j] = jnp.sum(jnp.min(dist, axis=1))
    bmin = jnp.min(dist, axis=0)[None, :]

    @pl.when(j == 0)
    def _():
        cmin_ref[...] = bmin

    @pl.when(j != 0)
    def _():
        cmin_ref[...] = jnp.minimum(cmin_ref[...], bmin)

    col_ref[bb, 0] = jnp.sum(cmin_ref[...])


_chamfer_tc = pl.pallas_call(
    _tc_body,
    grid=(_B - _BSC, _N // _QB_TC),
    in_specs=[
        pl.BlockSpec((1, 3, _N), lambda b, j: (b, 0, 0)),
        pl.BlockSpec((1, 3, _QB_TC), lambda b, j: (b, 0, j)),
    ],
    out_specs=[
        pl.BlockSpec((_B - _BSC, _N // _QB_TC), lambda b, j: (0, 0),
                     memory_space=pltpu.SMEM),
        pl.BlockSpec((_B - _BSC, 1), lambda b, j: (0, 0),
                     memory_space=pltpu.SMEM),
    ],
    out_shape=[
        jax.ShapeDtypeStruct((_B - _BSC, _N // _QB_TC), jnp.float32),
        jax.ShapeDtypeStruct((_B - _BSC, 1), jnp.float32),
    ],
    scratch_shapes=[pltpu.VMEM((1, _N), jnp.float32)],
)


def kernel(array1, array2):
    a1t = jnp.transpose(array1, (0, 2, 1))
    a2t = jnp.transpose(array2, (0, 2, 1))
    a1b = a1t[:_BSC].astype(jnp.bfloat16)
    a2b = a2t[:_BSC].astype(jnp.bfloat16)
    qbits = lax.bitcast_convert_type(a2b, jnp.uint16).astype(jnp.uint32)
    a2p = (qbits | (qbits << jnp.uint32(16))).astype(jnp.int32)
    sc_partials = _chamfer_sc(a1b, a2p)
    rowsums, colsums = _chamfer_tc(a1t[_BSC:], a2t[_BSC:])
    weight = jnp.float32(100.0 * 0.5 / (_B * _N))
    total = jnp.sum(sc_partials[:, 0]) + jnp.sum(rowsums) + jnp.sum(colsums)
    return weight * total

# --- scband reference (transcript-rebuilt; emitter-appended) ---
"""Pipeline reference for scband-point-loss-69870527971439 (READ-ONLY COPY).

The authoritative reference and input builder live on the scoring server;
editing this copy changes nothing except your own understanding.
"""

import jax, jax.numpy as jnp
import numpy as np

CD_WEIGHT = 100

def setup_inputs(seed: int = 0) -> dict:
    key = jax.random.key(seed)
    k1, k2 = jax.random.split(key)
    array1 = jax.random.normal(k1, (8, 2048, 3), dtype=jnp.float32)
    array2 = jax.random.normal(k2, (8, 2048, 3), dtype=jnp.float32)
    return {"array1": array1, "array2": array2}

def _array2samples_distance(a1, a2):
    # a1: (N1, F), a2: (N2, F)
    # pairwise squared distances, shape (N2, N1): row i = dists from sample a2[i] to all of a1
    diff = a2[:, None, :] - a1[None, :, :]
    d = jnp.sum(diff * diff, axis=-1)
    d = jnp.min(d, axis=1)
    return jnp.mean(d)

def reference(array1, array2):
    batch_size = array1.shape[0]
    d1 = jax.vmap(_array2samples_distance)(array1, array2)  # per-batch av_dist1
    d2 = jax.vmap(lambda a, b: _array2samples_distance(b, a))(array1, array2)  # av_dist2
    dist = jnp.sum((0.5 * d1 + 0.5 * d2) / batch_size)
    return CD_WEIGHT * dist

if __name__ == "__main__":
    import jax
    _d = setup_inputs()
    print(jax.jit(kernel)(*tuple(_d.values())))

</pallas_src>

<mosaic_0001>
#map = affine_map<(d0, d1) -> (0, 0, 0)>
#map1 = affine_map<(d0, d1) -> (0, 0)>
module attributes {stable_mosaic.version = 14 : i64} {
  func.func @_chamfer_sc(%arg0: i32, %arg1: i32, %arg2: memref<4x3x2048xbf16, #tpu.memory_space<hbm>>, %arg3: memref<4x3x2048xi32, #tpu.memory_space<hbm>>, %arg4: memref<32x16xf32, #tpu.memory_space<hbm>>, %arg5: memref<3x2048xi32, #tpu.memory_space<vmem>>, %arg6: memref<3x2048xbf16, #tpu.memory_space<vmem>>, %arg7: memref<2048xbf16, #tpu.memory_space<vmem>>, %arg8: memref<14336xbf16, #tpu.memory_space<vmem>>, %arg9: memref<16xf32, #tpu.memory_space<vmem>>, %arg10: memref<32768xbf16, #tpu.memory_space<vmem_shared>>) attributes {dimension_semantics = [#tpu.dimension_semantics<core_parallel>, #tpu.dimension_semantics<subcore_parallel>], iteration_bounds = array<i64: 2, 16>, scalar_prefetch = 0 : i64, scratch_operands = 6 : i64, tpu.core_type = #tpu.core_type<sc_vector_subcore>, window_params = [{transform_indices = #map}, {transform_indices = #map}, {transform_indices = #map1}]} {
    %mul3A = arith.constant 16 : i32
    %mul3A_0 = arith.muli %arg0, %mul3A : i32
    %add3A = arith.addi %mul3A_0, %arg1 : i32
    %jit3A = arith.constant 8 : i32
    %div3A = arith.divsi %add3A, %jit3A : i32
    %sign3A = arith.constant 0 : i32
    %sign3A_1 = arith.cmpi sgt, %add3A, %sign3A : i32
    %sign3A_2 = arith.extui %sign3A_1 : i1 to i32
    %sign3A_3 = arith.constant 0 : i32
    %sign3A_4 = arith.cmpi slt, %add3A, %sign3A_3 : i32
    %sign3A_5 = arith.extui %sign3A_4 : i1 to i32
    %sign3A_6 = arith.subi %sign3A_2, %sign3A_5 : i32
    %sign3A_7 = arith.constant 0 : i32
    %sign3A_8 = arith.cmpi sgt, %jit3A, %sign3A_7 : i32
    %sign3A_9 = arith.extui %sign3A_8 : i1 to i32
    %sign3A_10 = arith.constant 0 : i32
    %sign3A_11 = arith.cmpi slt, %jit3A, %sign3A_10 : i32
    %sign3A_12 = arith.extui %sign3A_11 : i1 to i32
    %sign3A_13 = arith.subi %sign3A_9, %sign3A_12 : i32
    %ne3A = arith.cmpi ne, %sign3A_6, %sign3A_13 : i32
    %rem3A = arith.remsi %add3A, %jit3A : i32
    %ne3A_14 = arith.constant 0 : i32
    %ne3A_15 = arith.cmpi ne, %rem3A, %ne3A_14 : i32
    %and3A = arith.andi %ne3A, %ne3A_15 : i1
    %sub3A = arith.constant 1 : i32
    %sub3A_16 = arith.subi %div3A, %sub3A : i32
    %select_n3A = arith.select %and3A, %sub3A_16, %div3A : i32
    %jit3A_17 = arith.constant 8 : i32
    %eq3A = arith.constant 0 : i32
    %eq3A_18 = arith.cmpi eq, %jit3A_17, %eq3A : i32
    %jit3A_19 = arith.constant 1 : i32
    %select_n3A_20 = arith.select %eq3A_18, %jit3A_19, %jit3A_17 : i32
    %rem3A_21 = arith.remsi %add3A, %select_n3A_20 : i32
    %ne3A_22 = arith.constant 0 : i32
    %ne3A_23 = arith.cmpi ne, %rem3A_21, %ne3A_22 : i32
    %lt3A = arith.constant 0 : i32
    %lt3A_24 = arith.cmpi slt, %rem3A_21, %lt3A : i32
    %lt3A_25 = arith.constant 0 : i32
    %lt3A_26 = arith.cmpi slt, %select_n3A_20, %lt3A_25 : i32
    %ne3A_27 = arith.xori %lt3A_24, %lt3A_26 : i1
    %and3A_28 = arith.andi %ne3A_27, %ne3A_23 : i1
    %add3A_29 = arith.addi %rem3A_21, %select_n3A_20 : i32
    %select_n3A_30 = arith.select %and3A_28, %add3A_29, %rem3A_21 : i32
    "tpu.region"() ({
      %run_scoped3A = tpu.sem_alloc : memref<!tpu.dma_semaphore, #tpu.memory_space<semaphore_mem>>
      %dma_start3A = arith.constant 0 : i32
      %dma_start3A_68 = arith.constant 0 : i32
      %dma_start3A_69 = tpu.memref_slice %arg3[%select_n3A, %dma_start3A, %dma_start3A_68] : memref<4x3x2048xi32, #tpu.memory_space<hbm>> -> memref<1x3x2048xi32, #tpu.memory_space<hbm>>
      %dma_start3A_70 = tpu.memref_squeeze %dma_start3A_69 : memref<1x3x2048xi32, #tpu.memory_space<hbm>> -> memref<3x2048xi32, #tpu.memory_space<hbm>>
      %dma_start3A_71 = arith.constant 0 : i32
      %dma_start3A_72 = arith.constant 0 : i32
      %dma_start3A_73 = tpu.memref_slice %arg3[%select_n3A, %dma_start3A_71, %dma_start3A_72] : memref<4x3x2048xi32, #tpu.memory_space<hbm>> -> memref<1x3x2048xi32, #tpu.memory_space<hbm>>
      %dma_start3A_74 = tpu.memref_squeeze %dma_start3A_73 : memref<1x3x2048xi32, #tpu.memory_space<hbm>> -> memref<3x2048xi32, #tpu.memory_space<hbm>>
      tpu.enqueue_dma source(%dma_start3A_74 : memref<3x2048xi32, #tpu.memory_space<hbm>>) target(%arg5 : memref<3x2048xi32, #tpu.memory_space<vmem>>) target_semaphore(%run_scoped3A : memref<!tpu.dma_semaphore, #tpu.memory_space<semaphore_mem>>)
      %dma_wait3A = arith.constant 0 : i32
      %dma_wait3A_75 = arith.constant 0 : i32
      %dma_wait3A_76 = tpu.memref_slice %arg3[%select_n3A, %dma_wait3A, %dma_wait3A_75] : memref<4x3x2048xi32, #tpu.memory_space<hbm>> -> memref<1x3x2048xi32, #tpu.memory_space<hbm>>
      %dma_wait3A_77 = tpu.memref_squeeze %dma_wait3A_76 : memref<1x3x2048xi32, #tpu.memory_space<hbm>> -> memref<3x2048xi32, #tpu.memory_space<hbm>>
      %dma_wait3A_78 = arith.constant 0 : i32
      %dma_wait3A_79 = arith.constant 0 : i32
      %dma_wait3A_80 = tpu.memref_slice %arg3[%select_n3A, %dma_wait3A_78, %dma_wait3A_79] : memref<4x3x2048xi32, #tpu.memory_space<hbm>> -> memref<1x3x2048xi32, #tpu.memory_space<hbm>>
      %dma_wait3A_81 = tpu.memref_squeeze %dma_wait3A_80 : memref<1x3x2048xi32, #tpu.memory_space<hbm>> -> memref<3x2048xi32, #tpu.memory_space<hbm>>
      tpu.wait_dma2 semaphore(%run_scoped3A : memref<!tpu.dma_semaphore, #tpu.memory_space<semaphore_mem>>) src(%dma_wait3A_81 : memref<3x2048xi32, #tpu.memory_space<hbm>>) dst(%arg5 : memref<3x2048xi32, #tpu.memory_space<vmem>>)
      tpu.yield
    }) : () -> ()
    "tpu.region"() ({
      %run_scoped3A = tpu.sem_alloc : memref<!tpu.dma_semaphore, #tpu.memory_space<semaphore_mem>>
      %dma_start3A = arith.constant 0 : i32
      %dma_start3A_68 = arith.constant 0 : i32
      %dma_start3A_69 = tpu.memref_slice %arg2[%select_n3A, %dma_start3A, %dma_start3A_68] : memref<4x3x2048xbf16, #tpu.memory_space<hbm>> -> memref<1x3x2048xbf16, #tpu.memory_space<hbm>>
      %dma_start3A_70 = tpu.memref_squeeze %dma_start3A_69 : memref<1x3x2048xbf16, #tpu.memory_space<hbm>> -> memref<3x2048xbf16, #tpu.memory_space<hbm>>
      %dma_start3A_71 = arith.constant 0 : i32
      %dma_start3A_72 = arith.constant 0 : i32
      %dma_start3A_73 = tpu.memref_slice %arg2[%select_n3A, %dma_start3A_71, %dma_start3A_72] : memref<4x3x2048xbf16, #tpu.memory_space<hbm>> -> memref<1x3x2048xbf16, #tpu.memory_space<hbm>>
      %dma_start3A_74 = tpu.memref_squeeze %dma_start3A_73 : memref<1x3x2048xbf16, #tpu.memory_space<hbm>> -> memref<3x2048xbf16, #tpu.memory_space<hbm>>
      tpu.enqueue_dma source(%dma_start3A_74 : memref<3x2048xbf16, #tpu.memory_space<hbm>>) target(%arg6 : memref<3x2048xbf16, #tpu.memory_space<vmem>>) target_semaphore(%run_scoped3A : memref<!tpu.dma_semaphore, #tpu.memory_space<semaphore_mem>>)
      %dma_wait3A = arith.constant 0 : i32
      %dma_wait3A_75 = arith.constant 0 : i32
      %dma_wait3A_76 = tpu.memref_slice %arg2[%select_n3A, %dma_wait3A, %dma_wait3A_75] : memref<4x3x2048xbf16, #tpu.memory_space<hbm>> -> memref<1x3x2048xbf16, #tpu.memory_space<hbm>>
      %dma_wait3A_77 = tpu.memref_squeeze %dma_wait3A_76 : memref<1x3x2048xbf16, #tpu.memory_space<hbm>> -> memref<3x2048xbf16, #tpu.memory_space<hbm>>
      %dma_wait3A_78 = arith.constant 0 : i32
      %dma_wait3A_79 = arith.constant 0 : i32
      %dma_wait3A_80 = tpu.memref_slice %arg2[%select_n3A, %dma_wait3A_78, %dma_wait3A_79] : memref<4x3x2048xbf16, #tpu.memory_space<hbm>> -> memref<1x3x2048xbf16, #tpu.memory_space<hbm>>
      %dma_wait3A_81 = tpu.memref_squeeze %dma_wait3A_80 : memref<1x3x2048xbf16, #tpu.memory_space<hbm>> -> memref<3x2048xbf16, #tpu.memory_space<hbm>>
      tpu.wait_dma2 semaphore(%run_scoped3A : memref<!tpu.dma_semaphore, #tpu.memory_space<semaphore_mem>>) src(%dma_wait3A_81 : memref<3x2048xbf16, #tpu.memory_space<hbm>>) dst(%arg6 : memref<3x2048xbf16, #tpu.memory_space<vmem>>)
      tpu.yield
    }) : () -> ()
    %broadcast_in_dim3A = arith.constant 0x7F80 : bf16
    %broadcast_in_dim3A_31 = vector.broadcast %broadcast_in_dim3A : bf16 to vector<32xbf16>
    %iota3A = tpu.iota {dimensions = array<i32: 0>} : vector<16xi32>
    %xor3A = arith.constant 1 : i32
    %xor3A_32 = vector.broadcast %xor3A : i32 to vector<16xi32>
    %xor3A_33 = arith.xori %iota3A, %xor3A_32 : vector<16xi32>
    %xor3A_34 = arith.constant 2 : i32
    %xor3A_35 = vector.broadcast %xor3A_34 : i32 to vector<16xi32>
    %xor3A_36 = arith.xori %iota3A, %xor3A_35 : vector<16xi32>
    %xor3A_37 = arith.constant 4 : i32
    %xor3A_38 = vector.broadcast %xor3A_37 : i32 to vector<16xi32>
    %xor3A_39 = arith.xori %iota3A, %xor3A_38 : vector<16xi32>
    %xor3A_40 = arith.constant 8 : i32
    %xor3A_41 = vector.broadcast %xor3A_40 : i32 to vector<16xi32>
    %xor3A_42 = arith.xori %iota3A, %xor3A_41 : vector<16xi32>
    %scan3A = arith.constant 0 : i32
    %scan3A_43 = arith.constant 0 : i32
    %scan3A_44 = arith.constant 64 : i32
    %scan3A_45 = arith.addi %scan3A_43, %scan3A_44 : i32
    %scan3A_46 = arith.constant 1 : i32
    scf.for %scan3A_68 = %scan3A_43 to %scan3A_45 step %scan3A_46  : i32 {
      %mul3A_69 = arith.constant 32 : i32
      %mul3A_70 = arith.muli %scan3A_68, %mul3A_69 : i32
      %swap3A = arith.index_cast %mul3A_70 : i32 to index
      %swap3A_71 = tpu.vector_load %arg7[%swap3A] {strides = array<i32>} : memref<2048xbf16, #tpu.memory_space<vmem>>, vector<32xbf16>,
      tpu.vector_store %arg7[%swap3A], %broadcast_in_dim3A_31 {strides = array<i32>} : memref<2048xbf16, #tpu.memory_space<vmem>>, vector<32xbf16>,
    }
    %scan3A_47 = arith.constant 64 : i32
    %mul3A_48 = arith.constant 256 : i32
    %mul3A_49 = arith.muli %select_n3A_30, %mul3A_48 : i32
    %broadcast_in_dim3A_50 = arith.constant 0.000000e+00 : f32
    %broadcast_in_dim3A_51 = vector.broadcast %broadcast_in_dim3A_50 : f32 to vector<16xf32>
    %scan3A_52 = arith.constant 0 : i32
    %scan3A_53 = arith.constant 16 : i32
    %scan3A_54 = arith.addi %scan3A_52, %scan3A_53 : i32
    %scan3A_55 = arith.constant 1 : i32
    %scan3A_56 = scf.for %scan3A_68 = %scan3A_52 to %scan3A_54 step %scan3A_55 iter_args(%scan3A_69 = %broadcast_in_dim3A_51) -> (vector<16xf32>)  : i32 {
      %mul3A_70 = arith.constant 16 : i32
      %mul3A_71 = arith.muli %scan3A_68, %mul3A_70 : i32
      %add3A_72 = arith.addi %mul3A_49, %mul3A_71 : i32
      %get3A = arith.constant 0 : i32
      %get3A_73 = arith.index_cast %get3A : i32 to index
      %get3A_74 = arith.index_cast %add3A_72 : i32 to index
      %get3A_75 = tpu.vector_load %arg5[%get3A_73, %get3A_74] {strides = array<i32>} : memref<3x2048xi32, #tpu.memory_space<vmem>>, vector<16xi32>,
      %get3A_76 = arith.constant 1 : i32
      %get3A_77 = arith.index_cast %get3A_76 : i32 to index
      %get3A_78 = arith.index_cast %add3A_72 : i32 to index
      %get3A_79 = tpu.vector_load %arg5[%get3A_77, %get3A_78] {strides = array<i32>} : memref<3x2048xi32, #tpu.memory_space<vmem>>, vector<16xi32>,
      %get3A_80 = arith.constant 2 : i32
      %get3A_81 = arith.index_cast %get3A_80 : i32 to index
      %get3A_82 = arith.index_cast %add3A_72 : i32 to index
      %get3A_83 = tpu.vector_load %arg5[%get3A_81, %get3A_82] {strides = array<i32>} : memref<3x2048xi32, #tpu.memory_space<vmem>>, vector<16xi32>,
      %slice3A = vector.extract_strided_slice %get3A_75 {offsets = [0], sizes = [1], strides = [1]} : vector<16xi32> to vector<1xi32>
      %squeeze3A = vector.extract %slice3A[0] : i32 from vector<1xi32>
      %broadcast_in_dim3A_84 = vector.broadcast %squeeze3A : i32 to vector<16xi32>
      %bitcast3A = vector.bitcast %broadcast_in_dim3A_84 : vector<16xi32> to vector<32xbf16>
      %slice3A_85 = vector.extract_strided_slice %get3A_75 {offsets = [1], sizes = [1], strides = [1]} : vector<16xi32> to vector<1xi32>
      %squeeze3A_86 = vector.extract %slice3A_85[0] : i32 from vector<1xi32>
      %broadcast_in_dim3A_87 = vector.broadcast %squeeze3A_86 : i32 to vector<16xi32>
      %bitcast3A_88 = vector.bitcast %broadcast_in_dim3A_87 : vector<16xi32> to vector<32xbf16>
      %slice3A_89 = vector.extract_strided_slice %get3A_75 {offsets = [2], sizes = [1], strides = [1]} : vector<16xi32> to vector<1xi32>
      %squeeze3A_90 = vector.extract %slice3A_89[0] : i32 from vector<1xi32>
      %broadcast_in_dim3A_91 = vector.broadcast %squeeze3A_90 : i32 to vector<16xi32>
      %bitcast3A_92 = vector.bitcast %broadcast_in_dim3A_91 : vector<16xi32> to vector<32xbf16>
      %slice3A_93 = vector.extract_strided_slice %get3A_75 {offsets = [3], sizes = [1], strides = [1]} : vector<16xi32> to vector<1xi32>
      %squeeze3A_94 = vector.extract %slice3A_93[0] : i32 from vector<1xi32>
      %broadcast_in_dim3A_95 = vector.broadcast %squeeze3A_94 : i32 to vector<16xi32>
      %bitcast3A_96 = vector.bitcast %broadcast_in_dim3A_95 : vector<16xi32> to vector<32xbf16>
      %slice3A_97 = vector.extract_strided_slice %get3A_75 {offsets = [4], sizes = [1], strides = [1]} : vector<16xi32> to vector<1xi32>
      %squeeze3A_98 = vector.extract %slice3A_97[0] : i32 from vector<1xi32>
      %broadcast_in_dim3A_99 = vector.broadcast %squeeze3A_98 : i32 to vector<16xi32>
      %bitcast3A_100 = vector.bitcast %broadcast_in_dim3A_99 : vector<16xi32> to vector<32xbf16>
      %slice3A_101 = vector.extract_strided_slice %get3A_75 {offsets = [5], sizes = [1], strides = [1]} : vector<16xi32> to vector<1xi32>
      %squeeze3A_102 = vector.extract %slice3A_101[0] : i32 from vector<1xi32>
      %broadcast_in_dim3A_103 = vector.broadcast %squeeze3A_102 : i32 to vector<16xi32>
      %bitcast3A_104 = vector.bitcast %broadcast_in_dim3A_103 : vector<16xi32> to vector<32xbf16>
      %slice3A_105 = vector.extract_strided_slice %get3A_75 {offsets = [6], sizes = [1], strides = [1]} : vector<16xi32> to vector<1xi32>
      %squeeze3A_106 = vector.extract %slice3A_105[0] : i32 from vector<1xi32>
      %broadcast_in_dim3A_107 = vector.broadcast %squeeze3A_106 : i32 to vector<16xi32>
      %bitcast3A_108 = vector.bitcast %broadcast_in_dim3A_107 : vector<16xi32> to vector<32xbf16>
      %slice3A_109 = vector.extract_strided_slice %get3A_75 {offsets = [7], sizes = [1], strides = [1]} : vector<16xi32> to vector<1xi32>
      %squeeze3A_110 = vector.extract %slice3A_109[0] : i32 from vector<1xi32>
      %broadcast_in_dim3A_111 = vector.broadcast %squeeze3A_110 : i32 to vector<16xi32>
      %bitcast3A_112 = vector.bitcast %broadcast_in_dim3A_111 : vector<16xi32> to vector<32xbf16>
      %slice3A_113 = vector.extract_strided_slice %get3A_79 {offsets = [0], sizes = [1], strides = [1]} : vector<16xi32> to vector<1xi32>
      %squeeze3A_114 = vector.extract %slice3A_113[0] : i32 from vector<1xi32>
      %broadcast_in_dim3A_115 = vector.broadcast %squeeze3A_114 : i32 to vector<16xi32>
      %bitcast3A_116 = vector.bitcast %broadcast_in_dim3A_115 : vector<16xi32> to vector<32xbf16>
      %slice3A_117 = vector.extract_strided_slice %get3A_79 {offsets = [1], sizes = [1], strides = [1]} : vector<16xi32> to vector<1xi32>
      %squeeze3A_118 = vector.extract %slice3A_117[0] : i32 from vector<1xi32>
      %broadcast_in_dim3A_119 = vector.broadcast %squeeze3A_118 : i32 to vector<16xi32>
      %bitcast3A_120 = vector.bitcast %broadcast_in_dim3A_119 : vector<16xi32> to vector<32xbf16>
      %slice3A_121 = vector.extract_strided_slice %get3A_79 {offsets = [2], sizes = [1], strides = [1]} : vector<16xi32> to vector<1xi32>
      %squeeze3A_122 = vector.extract %slice3A_121[0] : i32 from vector<1xi32>
      %broadcast_in_dim3A_123 = vector.broadcast %squeeze3A_122 : i32 to vector<16xi32>
      %bitcast3A_124 = vector.bitcast %broadcast_in_dim3A_123 : vector<16xi32> to vector<32xbf16>
      %slice3A_125 = vector.extract_strided_slice %get3A_79 {offsets = [3], sizes = [1], strides = [1]} : vector<16xi32> to vector<1xi32>
      %squeeze3A_126 = vector.extract %slice3A_125[0] : i32 from vector<1xi32>
      %broadcast_in_dim3A_127 = vector.broadcast %squeeze3A_126 : i32 to vector<16xi32>
      %bitcast3A_128 = vector.bitcast %broadcast_in_dim3A_127 : vector<16xi32> to vector<32xbf16>
      %slice3A_129 = vector.extract_strided_slice %get3A_79 {offsets = [4], sizes = [1], strides = [1]} : vector<16xi32> to vector<1xi32>
      %squeeze3A_130 = vector.extract %slice3A_129[0] : i32 from vector<1xi32>
      %broadcast_in_dim3A_131 = vector.broadcast %squeeze3A_130 : i32 to vector<16xi32>
      %bitcast3A_132 = vector.bitcast %broadcast_in_dim3A_131 : vector<16xi32> to vector<32xbf16>
      %slice3A_133 = vector.extract_strided_slice %get3A_79 {offsets = [5], sizes = [1], strides = [1]} : vector<16xi32> to vector<1xi32>
      %squeeze3A_134 = vector.extract %slice3A_133[0] : i32 from vector<1xi32>
      %broadcast_in_dim3A_135 = vector.broadcast %squeeze3A_134 : i32 to vector<16xi32>
      %bitcast3A_136 = vector.bitcast %broadcast_in_dim3A_135 : vector<16xi32> to vector<32xbf16>
      %slice3A_137 = vector.extract_strided_slice %get3A_79 {offsets = [6], sizes = [1], strides = [1]} : vector<16xi32> to vector<1xi32>
      %squeeze3A_138 = vector.extract %slice3A_137[0] : i32 from vector<1xi32>
      %broadcast_in_dim3A_139 = vector.broadcast %squeeze3A_138 : i32 to vector<16xi32>
      %bitcast3A_140 = vector.bitcast %broadcast_in_dim3A_139 : vector<16xi32> to vector<32xbf16>
      %slice3A_141 = vector.extract_strided_slice %get3A_79 {offsets = [7], sizes = [1], strides = [1]} : vector<16xi32> to vector<1xi32>
      %squeeze3A_142 = vector.extract %slice3A_141[0] : i32 from vector<1xi32>
      %broadcast_in_dim3A_143 = vector.broadcast %squeeze3A_142 : i32 to vector<16xi32>
      %bitcast3A_144 = vector.bitcast %broadcast_in_dim3A_143 : vector<16xi32> to vector<32xbf16>
      %slice3A_145 = vector.extract_strided_slice %get3A_83 {offsets = [0], sizes = [1], strides = [1]} : vector<16xi32> to vector<1xi32>
      %squeeze3A_146 = vector.extract %slice3A_145[0] : i32 from vector<1xi32>
      %broadcast_in_dim3A_147 = vector.broadcast %squeeze3A_146 : i32 to vector<16xi32>
      %bitcast3A_148 = vector.bitcast %broadcast_in_dim3A_147 : vector<16xi32> to vector<32xbf16>
      %slice3A_149 = vector.extract_strided_slice %get3A_83 {offsets = [1], sizes = [1], strides = [1]} : vector<16xi32> to vector<1xi32>
      %squeeze3A_150 = vector.extract %slice3A_149[0] : i32 from vector<1xi32>
      %broadcast_in_dim3A_151 = vector.broadcast %squeeze3A_150 : i32 to vector<16xi32>
      %bitcast3A_152 = vector.bitcast %broadcast_in_dim3A_151 : vector<16xi32> to vector<32xbf16>
      %slice3A_153 = vector.extract_strided_slice %get3A_83 {offsets = [2], sizes = [1], strides = [1]} : vector<16xi32> to vector<1xi32>
      %squeeze3A_154 = vector.extract %slice3A_153[0] : i32 from vector<1xi32>
      %broadcast_in_dim3A_155 = vector.broadcast %squeeze3A_154 : i32 to vector<16xi32>
      %bitcast3A_156 = vector.bitcast %broadcast_in_dim3A_155 : vector<16xi32> to vector<32xbf16>
      %slice3A_157 = vector.extract_strided_slice %get3A_83 {offsets = [3], sizes = [1], strides = [1]} : vector<16xi32> to vector<1xi32>
      %squeeze3A_158 = vector.extract %slice3A_157[0] : i32 from vector<1xi32>
      %broadcast_in_dim3A_159 = vector.broadcast %squeeze3A_158 : i32 to vector<16xi32>
      %bitcast3A_160 = vector.bitcast %broadcast_in_dim3A_159 : vector<16xi32> to vector<32xbf16>
      %slice3A_161 = vector.extract_strided_slice %get3A_83 {offsets = [4], sizes = [1], strides = [1]} : vector<16xi32> to vector<1xi32>
      %squeeze3A_162 = vector.extract %slice3A_161[0] : i32 from vector<1xi32>
      %broadcast_in_dim3A_163 = vector.broadcast %squeeze3A_162 : i32 to vector<16xi32>
      %bitcast3A_164 = vector.bitcast %broadcast_in_dim3A_163 : vector<16xi32> to vector<32xbf16>
      %slice3A_165 = vector.extract_strided_slice %get3A_83 {offsets = [5], sizes = [1], strides = [1]} : vector<16xi32> to vector<1xi32>
      %squeeze3A_166 = vector.extract %slice3A_165[0] : i32 from vector<1xi32>
      %broadcast_in_dim3A_167 = vector.broadcast %squeeze3A_166 : i32 to vector<16xi32>
      %bitcast3A_168 = vector.bitcast %broadcast_in_dim3A_167 : vector<16xi32> to vector<32xbf16>
      %slice3A_169 = vector.extract_strided_slice %get3A_83 {offsets = [6], sizes = [1], strides = [1]} : vector<16xi32> to vector<1xi32>
      %squeeze3A_170 = vector.extract %slice3A_169[0] : i32 from vector<1xi32>
      %broadcast_in_dim3A_171 = vector.broadcast %squeeze3A_170 : i32 to vector<16xi32>
      %bitcast3A_172 = vector.bitcast %broadcast_in_dim3A_171 : vector<16xi32> to vector<32xbf16>
      %slice3A_173 = vector.extract_strided_slice %get3A_83 {offsets = [7], sizes = [1], strides = [1]} : vector<16xi32> to vector<1xi32>
      %squeeze3A_174 = vector.extract %slice3A_173[0] : i32 from vector<1xi32>
      %broadcast_in_dim3A_175 = vector.broadcast %squeeze3A_174 : i32 to vector<16xi32>
      %bitcast3A_176 = vector.bitcast %broadcast_in_dim3A_175 : vector<16xi32> to vector<32xbf16>
      %scan3A_177 = arith.constant 0 : i32
      %scan3A_178 = arith.constant 64 : i32
      %scan3A_179 = arith.addi %scan3A_177, %scan3A_178 : i32
      %scan3A_180 = arith.constant 1 : i32
      %scan3A_181:8 = scf.for %scan3A_1162 = %scan3A_177 to %scan3A_179 step %scan3A_180 iter_args(%scan3A_1163 = %broadcast_in_dim3A_31, %scan3A_1164 = %broadcast_in_dim3A_31, %scan3A_1165 = %broadcast_in_dim3A_31, %scan3A_1166 = %broadcast_in_dim3A_31, %scan3A_1167 = %broadcast_in_dim3A_31, %scan3A_1168 = %broadcast_in_dim3A_31, %scan3A_1169 = %broadcast_in_dim3A_31, %scan3A_1170 = %broadcast_in_dim3A_31) -> (vector<32xbf16>, vector<32xbf16>, vector<32xbf16>, vector<32xbf16>, vector<32xbf16>, vector<32xbf16>, vector<32xbf16>, vector<32xbf16>)  : i32 {
        %mul3A_1171 = arith.constant 32 : i32
        %mul3A_1172 = arith.muli %scan3A_1162, %mul3A_1171 : i32
        %get3A_1173 = arith.constant 0 : i32
        %get3A_1174 = arith.index_cast %get3A_1173 : i32 to index
        %get3A_1175 = arith.index_cast %mul3A_1172 : i32 to index
        %get3A_1176 = tpu.vector_load %arg6[%get3A_1174, %get3A_1175] {strides = array<i32>} : memref<3x2048xbf16, #tpu.memory_space<vmem>>, vector<32xbf16>,
        %get3A_1177 = arith.constant 1 : i32
        %get3A_1178 = arith.index_cast %get3A_1177 : i32 to index
        %get3A_1179 = arith.index_cast %mul3A_1172 : i32 to index
        %get3A_1180 = tpu.vector_load %arg6[%get3A_1178, %get3A_1179] {strides = array<i32>} : memref<3x2048xbf16, #tpu.memory_space<vmem>>, vector<32xbf16>,
        %get3A_1181 = arith.constant 2 : i32
        %get3A_1182 = arith.index_cast %get3A_1181 : i32 to index
        %get3A_1183 = arith.index_cast %mul3A_1172 : i32 to index
        %get3A_1184 = tpu.vector_load %arg6[%get3A_1182, %get3A_1183] {strides = array<i32>} : memref<3x2048xbf16, #tpu.memory_space<vmem>>, vector<32xbf16>,
        %get3A_1185 = arith.index_cast %mul3A_1172 : i32 to index
        %get3A_1186 = tpu.vector_load %arg7[%get3A_1185] {strides = array<i32>} : memref<2048xbf16, #tpu.memory_space<vmem>>, vector<32xbf16>,
        %sub3A_1187 = arith.subf %get3A_1176, %bitcast3A : vector<32xbf16>
        %sub3A_1188 = arith.subf %get3A_1180, %bitcast3A_116 : vector<32xbf16>
        %sub3A_1189 = arith.subf %get3A_1184, %bitcast3A_148 : vector<32xbf16>
        %mul3A_1190 = arith.mulf %sub3A_1187, %sub3A_1187 : vector<32xbf16>
        %mul3A_1191 = arith.mulf %sub3A_1188, %sub3A_1188 : vector<32xbf16>
        %add3A_1192 = arith.addf %mul3A_1190, %mul3A_1191 : vector<32xbf16>
        %mul3A_1193 = arith.mulf %sub3A_1189, %sub3A_1189 : vector<32xbf16>
        %add3A_1194 = arith.addf %add3A_1192, %mul3A_1193 : vector<32xbf16>
        %min3A_1195 = arith.minimumf %scan3A_1163, %add3A_1194 : vector<32xbf16>
        %min3A_1196 = arith.minimumf %get3A_1186, %add3A_1194 : vector<32xbf16>
        %sub3A_1197 = arith.subf %get3A_1176, %bitcast3A_88 : vector<32xbf16>
        %sub3A_1198 = arith.subf %get3A_1180, %bitcast3A_120 : vector<32xbf16>
        %sub3A_1199 = arith.subf %get3A_1184, %bitcast3A_152 : vector<32xbf16>
        %mul3A_1200 = arith.mulf %sub3A_1197, %sub3A_1197 : vector<32xbf16>
        %mul3A_1201 = arith.mulf %sub3A_1198, %sub3A_1198 : vector<32xbf16>
        %add3A_1202 = arith.addf %mul3A_1200, %mul3A_1201 : vector<32xbf16>
        %mul3A_1203 = arith.mulf %sub3A_1199, %sub3A_1199 : vector<32xbf16>
        %add3A_1204 = arith.addf %add3A_1202, %mul3A_1203 : vector<32xbf16>
        %min3A_1205 = arith.minimumf %scan3A_1164, %add3A_1204 : vector<32xbf16>
        %min3A_1206 = arith.minimumf %min3A_1196, %add3A_1204 : vector<32xbf16>
        %sub3A_1207 = arith.subf %get3A_1176, %bitcast3A_92 : vector<32xbf16>
        %sub3A_1208 = arith.subf %get3A_1180, %bitcast3A_124 : vector<32xbf16>
        %sub3A_1209 = arith.subf %get3A_1184, %bitcast3A_156 : vector<32xbf16>
        %mul3A_1210 = arith.mulf %sub3A_1207, %sub3A_1207 : vector<32xbf16>
        %mul3A_1211 = arith.mulf %sub3A_1208, %sub3A_1208 : vector<32xbf16>
        %add3A_1212 = arith.addf %mul3A_1210, %mul3A_1211 : vector<32xbf16>
        %mul3A_1213 = arith.mulf %sub3A_1209, %sub3A_1209 : vector<32xbf16>
        %add3A_1214 = arith.addf %add3A_1212, %mul3A_1213 : vector<32xbf16>
        %min3A_1215 = arith.minimumf %scan3A_1165, %add3A_1214 : vector<32xbf16>
        %min3A_1216 = arith.minimumf %min3A_1206, %add3A_1214 : vector<32xbf16>
        %sub3A_1217 = arith.subf %get3A_1176, %bitcast3A_96 : vector<32xbf16>
        %sub3A_1218 = arith.subf %get3A_1180, %bitcast3A_128 : vector<32xbf16>
        %sub3A_1219 = arith.subf %get3A_1184, %bitcast3A_160 : vector<32xbf16>
        %mul3A_1220 = arith.mulf %sub3A_1217, %sub3A_1217 : vector<32xbf16>
        %mul3A_1221 = arith.mulf %sub3A_1218, %sub3A_1218 : vector<32xbf16>
        %add3A_1222 = arith.addf %mul3A_1220, %mul3A_1221 : vector<32xbf16>
        %mul3A_1223 = arith.mulf %sub3A_1219, %sub3A_1219 : vector<32xbf16>
        %add3A_1224 = arith.addf %add3A_1222, %mul3A_1223 : vector<32xbf16>
        %min3A_1225 = arith.minimumf %scan3A_1166, %add3A_1224 : vector<32xbf16>
        %min3A_1226 = arith.minimumf %min3A_1216, %add3A_1224 : vector<32xbf16>
        %sub3A_1227 = arith.subf %get3A_1176, %bitcast3A_100 : vector<32xbf16>
        %sub3A_1228 = arith.subf %get3A_1180, %bitcast3A_132 : vector<32xbf16>
        %sub3A_1229 = arith.subf %get3A_1184, %bitcast3A_164 : vector<32xbf16>
        %mul3A_1230 = arith.mulf %sub3A_1227, %sub3A_1227 : vector<32xbf16>
        %mul3A_1231 = arith.mulf %sub3A_1228, %sub3A_1228 : vector<32xbf16>
        %add3A_1232 = arith.addf %mul3A_1230, %mul3A_1231 : vector<32xbf16>
        %mul3A_1233 = arith.mulf %sub3A_1229, %sub3A_1229 : vector<32xbf16>
        %add3A_1234 = arith.addf %add3A_1232, %mul3A_1233 : vector<32xbf16>
        %min3A_1235 = arith.minimumf %scan3A_1167, %add3A_1234 : vector<32xbf16>
        %min3A_1236 = arith.minimumf %min3A_1226, %add3A_1234 : vector<32xbf16>
        %sub3A_1237 = arith.subf %get3A_1176, %bitcast3A_104 : vector<32xbf16>
        %sub3A_1238 = arith.subf %get3A_1180, %bitcast3A_136 : vector<32xbf16>
        %sub3A_1239 = arith.subf %get3A_1184, %bitcast3A_168 : vector<32xbf16>
        %mul3A_1240 = arith.mulf %sub3A_1237, %sub3A_1237 : vector<32xbf16>
        %mul3A_1241 = arith.mulf %sub3A_1238, %sub3A_1238 : vector<32xbf16>
        %add3A_1242 = arith.addf %mul3A_1240, %mul3A_1241 : vector<32xbf16>
        %mul3A_1243 = arith.mulf %sub3A_1239, %sub3A_1239 : vector<32xbf16>
        %add3A_1244 = arith.addf %add3A_1242, %mul3A_1243 : vector<32xbf16>
        %min3A_1245 = arith.minimumf %scan3A_1168, %add3A_1244 : vector<32xbf16>
        %min3A_1246 = arith.minimumf %min3A_1236, %add3A_1244 : vector<32xbf16>
        %sub3A_1247 = arith.subf %get3A_1176, %bitcast3A_108 : vector<32xbf16>
        %sub3A_1248 = arith.subf %get3A_1180, %bitcast3A_140 : vector<32xbf16>
        %sub3A_1249 = arith.subf %get3A_1184, %bitcast3A_172 : vector<32xbf16>
        %mul3A_1250 = arith.mulf %sub3A_1247, %sub3A_1247 : vector<32xbf16>
        %mul3A_1251 = arith.mulf %sub3A_1248, %sub3A_1248 : vector<32xbf16>
        %add3A_1252 = arith.addf %mul3A_1250, %mul3A_1251 : vector<32xbf16>
        %mul3A_1253 = arith.mulf %sub3A_1249, %sub3A_1249 : vector<32xbf16>
        %add3A_1254 = arith.addf %add3A_1252, %mul3A_1253 : vector<32xbf16>
        %min3A_1255 = arith.minimumf %scan3A_1169, %add3A_1254 : vector<32xbf16>
        %min3A_1256 = arith.minimumf %min3A_1246, %add3A_1254 : vector<32xbf16>
        %sub3A_1257 = arith.subf %get3A_1176, %bitcast3A_112 : vector<32xbf16>
        %sub3A_1258 = arith.subf %get3A_1180, %bitcast3A_144 : vector<32xbf16>
        %sub3A_1259 = arith.subf %get3A_1184, %bitcast3A_176 : vector<32xbf16>
        %mul3A_1260 = arith.mulf %sub3A_1257, %sub3A_1257 : vector<32xbf16>
        %mul3A_1261 = arith.mulf %sub3A_1258, %sub3A_1258 : vector<32xbf16>
        %add3A_1262 = arith.addf %mul3A_1260, %mul3A_1261 : vector<32xbf16>
        %mul3A_1263 = arith.mulf %sub3A_1259, %sub3A_1259 : vector<32xbf16>
        %add3A_1264 = arith.addf %add3A_1262, %mul3A_1263 : vector<32xbf16>
        %min3A_1265 = arith.minimumf %scan3A_1170, %add3A_1264 : vector<32xbf16>
        %min3A_1266 = arith.minimumf %min3A_1256, %add3A_1264 : vector<32xbf16>
        %swap3A = arith.index_cast %mul3A_1172 : i32 to index
        %swap3A_1267 = tpu.vector_load %arg7[%swap3A] {strides = array<i32>} : memref<2048xbf16, #tpu.memory_space<vmem>>, vector<32xbf16>,
        tpu.vector_store %arg7[%swap3A], %min3A_1266 {strides = array<i32>} : memref<2048xbf16, #tpu.memory_space<vmem>>, vector<32xbf16>,
        scf.yield %min3A_1195, %min3A_1205, %min3A_1215, %min3A_1225, %min3A_1235, %min3A_1245, %min3A_1255, %min3A_1265 : vector<32xbf16>, vector<32xbf16>, vector<32xbf16>, vector<32xbf16>, vector<32xbf16>, vector<32xbf16>, vector<32xbf16>, vector<32xbf16>
      }
      %scan3A_182 = arith.constant 64 : i32
      %bitcast3A_183 = vector.bitcast %scan3A_181#0 : vector<32xbf16> to vector<16xi32>
      %and3A_184 = arith.constant -65536 : i32
      %and3A_185 = vector.broadcast %and3A_184 : i32 to vector<16xi32>
      %and3A_186 = arith.andi %bitcast3A_183, %and3A_185 : vector<16xi32>
      %bitcast3A_187 = vector.bitcast %and3A_186 : vector<16xi32> to vector<16xf32>
      %shift_left3A = arith.constant 16 : i32
      %shift_left3A_188 = vector.broadcast %shift_left3A : i32 to vector<16xi32>
      %shift_left3A_189 = arith.shli %bitcast3A_183, %shift_left3A_188 : vector<16xi32>
      %bitcast3A_190 = vector.bitcast %shift_left3A_189 : vector<16xi32> to vector<16xf32>
      %min3A = arith.minimumf %bitcast3A_190, %bitcast3A_187 : vector<16xf32>
      %lt3A_191 = arith.constant 0 : i32
      %lt3A_192 = vector.broadcast %lt3A_191 : i32 to vector<16xi32>
      %lt3A_193 = arith.cmpi slt, %xor3A_33, %lt3A_192 : vector<16xi32>
      %add3A_194 = arith.constant 16 : i32
      %add3A_195 = vector.broadcast %add3A_194 : i32 to vector<16xi32>
      %add3A_196 = arith.addi %xor3A_33, %add3A_195 : vector<16xi32>
      %select_n3A_197 = arith.select %lt3A_193, %add3A_196, %xor3A_33 : vector<16xi1>, vector<16xi32>
      %broadcast_in_dim3A_198 = vector.shape_cast %select_n3A_197 : vector<16xi32> to vector<16x1xi32>
      %gather3A = vector.shape_cast %broadcast_in_dim3A_198 : vector<16x1xi32> to vector<16xi32>
      %gather3A_199 = tpu.dynamic_gather %min3A[%gather3A] in [0] : vector<16xf32>, vector<16xi32> -> vector<16xf32>
      %min3A_200 = arith.minimumf %min3A, %gather3A_199 : vector<16xf32>
      %lt3A_201 = arith.constant 0 : i32
      %lt3A_202 = vector.broadcast %lt3A_201 : i32 to vector<16xi32>
      %lt3A_203 = arith.cmpi slt, %xor3A_36, %lt3A_202 : vector<16xi32>
      %add3A_204 = arith.constant 16 : i32
      %add3A_205 = vector.broadcast %add3A_204 : i32 to vector<16xi32>
      %add3A_206 = arith.addi %xor3A_36, %add3A_205 : vector<16xi32>
      %select_n3A_207 = arith.select %lt3A_203, %add3A_206, %xor3A_36 : vector<16xi1>, vector<16xi32>
      %broadcast_in_dim3A_208 = vector.shape_cast %select_n3A_207 : vector<16xi32> to vector<16x1xi32>
      %gather3A_209 = vector.shape_cast %broadcast_in_dim3A_208 : vector<16x1xi32> to vector<16xi32>
      %gather3A_210 = tpu.dynamic_gather %min3A_200[%gather3A_209] in [0] : vector<16xf32>, vector<16xi32> -> vector<16xf32>
      %min3A_211 = arith.minimumf %min3A_200, %gather3A_210 : vector<16xf32>
      %lt3A_212 = arith.constant 0 : i32
      %lt3A_213 = vector.broadcast %lt3A_212 : i32 to vector<16xi32>
      %lt3A_214 = arith.cmpi slt, %xor3A_39, %lt3A_213 : vector<16xi32>
      %add3A_215 = arith.constant 16 : i32
      %add3A_216 = vector.broadcast %add3A_215 : i32 to vector<16xi32>
      %add3A_217 = arith.addi %xor3A_39, %add3A_216 : vector<16xi32>
      %select_n3A_218 = arith.select %lt3A_214, %add3A_217, %xor3A_39 : vector<16xi1>, vector<16xi32>
      %broadcast_in_dim3A_219 = vector.shape_cast %select_n3A_218 : vector<16xi32> to vector<16x1xi32>
      %gather3A_220 = vector.shape_cast %broadcast_in_dim3A_219 : vector<16x1xi32> to vector<16xi32>
      %gather3A_221 = tpu.dynamic_gather %min3A_211[%gather3A_220] in [0] : vector<16xf32>, vector<16xi32> -> vector<16xf32>
      %min3A_222 = arith.minimumf %min3A_211, %gather3A_221 : vector<16xf32>
      %lt3A_223 = arith.constant 0 : i32
      %lt3A_224 = vector.broadcast %lt3A_223 : i32 to vector<16xi32>
      %lt3A_225 = arith.cmpi slt, %xor3A_42, %lt3A_224 : vector<16xi32>
      %add3A_226 = arith.constant 16 : i32
      %add3A_227 = vector.broadcast %add3A_226 : i32 to vector<16xi32>
      %add3A_228 = arith.addi %xor3A_42, %add3A_227 : vector<16xi32>
      %select_n3A_229 = arith.select %lt3A_225, %add3A_228, %xor3A_42 : vector<16xi1>, vector<16xi32>
      %broadcast_in_dim3A_230 = vector.shape_cast %select_n3A_229 : vector<16xi32> to vector<16x1xi32>
      %gather3A_231 = vector.shape_cast %broadcast_in_dim3A_230 : vector<16x1xi32> to vector<16xi32>
      %gather3A_232 = tpu.dynamic_gather %min3A_222[%gather3A_231] in [0] : vector<16xf32>, vector<16xi32> -> vector<16xf32>
      %min3A_233 = arith.minimumf %min3A_222, %gather3A_232 : vector<16xf32>
      %add3A_234 = arith.addf %scan3A_69, %min3A_233 : vector<16xf32>
      %bitcast3A_235 = vector.bitcast %scan3A_181#1 : vector<32xbf16> to vector<16xi32>
      %and3A_236 = arith.constant -65536 : i32
      %and3A_237 = vector.broadcast %and3A_236 : i32 to vector<16xi32>
      %and3A_238 = arith.andi %bitcast3A_235, %and3A_237 : vector<16xi32>
      %bitcast3A_239 = vector.bitcast %and3A_238 : vector<16xi32> to vector<16xf32>
      %shift_left3A_240 = arith.constant 16 : i32
      %shift_left3A_241 = vector.broadcast %shift_left3A_240 : i32 to vector<16xi32>
      %shift_left3A_242 = arith.shli %bitcast3A_235, %shift_left3A_241 : vector<16xi32>
      %bitcast3A_243 = vector.bitcast %shift_left3A_242 : vector<16xi32> to vector<16xf32>
      %min3A_244 = arith.minimumf %bitcast3A_243, %bitcast3A_239 : vector<16xf32>
      %lt3A_245 = arith.constant 0 : i32
      %lt3A_246 = vector.broadcast %lt3A_245 : i32 to vector<16xi32>
      %lt3A_247 = arith.cmpi slt, %xor3A_33, %lt3A_246 : vector<16xi32>
      %add3A_248 = arith.constant 16 : i32
      %add3A_249 = vector.broadcast %add3A_248 : i32 to vector<16xi32>
      %add3A_250 = arith.addi %xor3A_33, %add3A_249 : vector<16xi32>
      %select_n3A_251 = arith.select %lt3A_247, %add3A_250, %xor3A_33 : vector<16xi1>, vector<16xi32>
      %broadcast_in_dim3A_252 = vector.shape_cast %select_n3A_251 : vector<16xi32> to vector<16x1xi32>
      %gather3A_253 = vector.shape_cast %broadcast_in_dim3A_252 : vector<16x1xi32> to vector<16xi32>
      %gather3A_254 = tpu.dynamic_gather %min3A_244[%gather3A_253] in [0] : vector<16xf32>, vector<16xi32> -> vector<16xf32>
      %min3A_255 = arith.minimumf %min3A_244, %gather3A_254 : vector<16xf32>
      %lt3A_256 = arith.constant 0 : i32
      %lt3A_257 = vector.broadcast %lt3A_256 : i32 to vector<16xi32>
      %lt3A_258 = arith.cmpi slt, %xor3A_36, %lt3A_257 : vector<16xi32>
      %add3A_259 = arith.constant 16 : i32
      %add3A_260 = vector.broadcast %add3A_259 : i32 to vector<16xi32>
      %add3A_261 = arith.addi %xor3A_36, %add3A_260 : vector<16xi32>
      %select_n3A_262 = arith.select %lt3A_258, %add3A_261, %xor3A_36 : vector<16xi1>, vector<16xi32>
      %broadcast_in_dim3A_263 = vector.shape_cast %select_n3A_262 : vector<16xi32> to vector<16x1xi32>
      %gather3A_264 = vector.shape_cast %broadcast_in_dim3A_263 : vector<16x1xi32> to vector<16xi32>
      %gather3A_265 = tpu.dynamic_gather %min3A_255[%gather3A_264] in [0] : vector<16xf32>, vector<16xi32> -> vector<16xf32>
      %min3A_266 = arith.minimumf %min3A_255, %gather3A_265 : vector<16xf32>
      %lt3A_267 = arith.constant 0 : i32
      %lt3A_268 = vector.broadcast %lt3A_267 : i32 to vector<16xi32>
      %lt3A_269 = arith.cmpi slt, %xor3A_39, %lt3A_268 : vector<16xi32>
      %add3A_270 = arith.constant 16 : i32
      %add3A_271 = vector.broadcast %add3A_270 : i32 to vector<16xi32>
      %add3A_272 = arith.addi %xor3A_39, %add3A_271 : vector<16xi32>
      %select_n3A_273 = arith.select %lt3A_269, %add3A_272, %xor3A_39 : vector<16xi1>, vector<16xi32>
      %broadcast_in_dim3A_274 = vector.shape_cast %select_n3A_273 : vector<16xi32> to vector<16x1xi32>
      %gather3A_275 = vector.shape_cast %broadcast_in_dim3A_274 : vector<16x1xi32> to vector<16xi32>
      %gather3A_276 = tpu.dynamic_gather %min3A_266[%gather3A_275] in [0] : vector<16xf32>, vector<16xi32> -> vector<16xf32>
      %min3A_277 = arith.minimumf %min3A_266, %gather3A_276 : vector<16xf32>
      %lt3A_278 = arith.constant 0 : i32
      %lt3A_279 = vector.broadcast %lt3A_278 : i32 to vector<16xi32>
      %lt3A_280 = arith.cmpi slt, %xor3A_42, %lt3A_279 : vector<16xi32>
      %add3A_281 = arith.constant 16 : i32
      %add3A_282 = vector.broadcast %add3A_281 : i32 to vector<16xi32>
      %add3A_283 = arith.addi %xor3A_42, %add3A_282 : vector<16xi32>
      %select_n3A_284 = arith.select %lt3A_280, %add3A_283, %xor3A_42 : vector<16xi1>, vector<16xi32>
      %broadcast_in_dim3A_285 = vector.shape_cast %select_n3A_284 : vector<16xi32> to vector<16x1xi32>
      %gather3A_286 = vector.shape_cast %broadcast_in_dim3A_285 : vector<16x1xi32> to vector<16xi32>
      %gather3A_287 = tpu.dynamic_gather %min3A_277[%gather3A_286] in [0] : vector<16xf32>, vector<16xi32> -> vector<16xf32>
      %min3A_288 = arith.minimumf %min3A_277, %gather3A_287 : vector<16xf32>
      %add3A_289 = arith.addf %add3A_234, %min3A_288 : vector<16xf32>
      %bitcast3A_290 = vector.bitcast %scan3A_181#2 : vector<32xbf16> to vector<16xi32>
      %and3A_291 = arith.constant -65536 : i32
      %and3A_292 = vector.broadcast %and3A_291 : i32 to vector<16xi32>
      %and3A_293 = arith.andi %bitcast3A_290, %and3A_292 : vector<16xi32>
      %bitcast3A_294 = vector.bitcast %and3A_293 : vector<16xi32> to vector<16xf32>
      %shift_left3A_295 = arith.constant 16 : i32
      %shift_left3A_296 = vector.broadcast %shift_left3A_295 : i32 to vector<16xi32>
      %shift_left3A_297 = arith.shli %bitcast3A_290, %shift_left3A_296 : vector<16xi32>
      %bitcast3A_298 = vector.bitcast %shift_left3A_297 : vector<16xi32> to vector<16xf32>
      %min3A_299 = arith.minimumf %bitcast3A_298, %bitcast3A_294 : vector<16xf32>
      %lt3A_300 = arith.constant 0 : i32
      %lt3A_301 = vector.broadcast %lt3A_300 : i32 to vector<16xi32>
      %lt3A_302 = arith.cmpi slt, %xor3A_33, %lt3A_301 : vector<16xi32>
      %add3A_303 = arith.constant 16 : i32
      %add3A_304 = vector.broadcast %add3A_303 : i32 to vector<16xi32>
      %add3A_305 = arith.addi %xor3A_33, %add3A_304 : vector<16xi32>
      %select_n3A_306 = arith.select %lt3A_302, %add3A_305, %xor3A_33 : vector<16xi1>, vector<16xi32>
      %broadcast_in_dim3A_307 = vector.shape_cast %select_n3A_306 : vector<16xi32> to vector<16x1xi32>
      %gather3A_308 = vector.shape_cast %broadcast_in_dim3A_307 : vector<16x1xi32> to vector<16xi32>
      %gather3A_309 = tpu.dynamic_gather %min3A_299[%gather3A_308] in [0] : vector<16xf32>, vector<16xi32> -> vector<16xf32>
      %min3A_310 = arith.minimumf %min3A_299, %gather3A_309 : vector<16xf32>
      %lt3A_311 = arith.constant 0 : i32
      %lt3A_312 = vector.broadcast %lt3A_311 : i32 to vector<16xi32>
      %lt3A_313 = arith.cmpi slt, %xor3A_36, %lt3A_312 : vector<16xi32>
      %add3A_314 = arith.constant 16 : i32
      %add3A_315 = vector.broadcast %add3A_314 : i32 to vector<16xi32>
      %add3A_316 = arith.addi %xor3A_36, %add3A_315 : vector<16xi32>
      %select_n3A_317 = arith.select %lt3A_313, %add3A_316, %xor3A_36 : vector<16xi1>, vector<16xi32>
      %broadcast_in_dim3A_318 = vector.shape_cast %select_n3A_317 : vector<16xi32> to vector<16x1xi32>
      %gather3A_319 = vector.shape_cast %broadcast_in_dim3A_318 : vector<16x1xi32> to vector<16xi32>
      %gather3A_320 = tpu.dynamic_gather %min3A_310[%gather3A_319] in [0] : vector<16xf32>, vector<16xi32> -> vector<16xf32>
      %min3A_321 = arith.minimumf %min3A_310, %gather3A_320 : vector<16xf32>
      %lt3A_322 = arith.constant 0 : i32
      %lt3A_323 = vector.broadcast %lt3A_322 : i32 to vector<16xi32>
      %lt3A_324 = arith.cmpi slt, %xor3A_39, %lt3A_323 : vector<16xi32>
      %add3A_325 = arith.constant 16 : i32
      %add3A_326 = vector.broadcast %add3A_325 : i32 to vector<16xi32>
      %add3A_327 = arith.addi %xor3A_39, %add3A_326 : vector<16xi32>
      %select_n3A_328 = arith.select %lt3A_324, %add3A_327, %xor3A_39 : vector<16xi1>, vector<16xi32>
      %broadcast_in_dim3A_329 = vector.shape_cast %select_n3A_328 : vector<16xi32> to vector<16x1xi32>
      %gather3A_330 = vector.shape_cast %broadcast_in_dim3A_329 : vector<16x1xi32> to vector<16xi32>
      %gather3A_331 = tpu.dynamic_gather %min3A_321[%gather3A_330] in [0] : vector<16xf32>, vector<16xi32> -> vector<16xf32>
      %min3A_332 = arith.minimumf %min3A_321, %gather3A_331 : vector<16xf32>
      %lt3A_333 = arith.constant 0 : i32
      %lt3A_334 = vector.broadcast %lt3A_333 : i32 to vector<16xi32>
      %lt3A_335 = arith.cmpi slt, %xor3A_42, %lt3A_334 : vector<16xi32>
      %add3A_336 = arith.constant 16 : i32
      %add3A_337 = vector.broadcast %add3A_336 : i32 to vector<16xi32>
      %add3A_338 = arith.addi %xor3A_42, %add3A_337 : vector<16xi32>
      %select_n3A_339 = arith.select %lt3A_335, %add3A_338, %xor3A_42 : vector<16xi1>, vector<16xi32>
      %broadcast_in_dim3A_340 = vector.shape_cast %select_n3A_339 : vector<16xi32> to vector<16x1xi32>
      %gather3A_341 = vector.shape_cast %broadcast_in_dim3A_340 : vector<16x1xi32> to vector<16xi32>
      %gather3A_342 = tpu.dynamic_gather %min3A_332[%gather3A_341] in [0] : vector<16xf32>, vector<16xi32> -> vector<16xf32>
      %min3A_343 = arith.minimumf %min3A_332, %gather3A_342 : vector<16xf32>
      %add3A_344 = arith.addf %add3A_289, %min3A_343 : vector<16xf32>
      %bitcast3A_345 = vector.bitcast %scan3A_181#3 : vector<32xbf16> to vector<16xi32>
      %and3A_346 = arith.constant -65536 : i32
      %and3A_347 = vector.broadcast %and3A_346 : i32 to vector<16xi32>
      %and3A_348 = arith.andi %bitcast3A_345, %and3A_347 : vector<16xi32>
      %bitcast3A_349 = vector.bitcast %and3A_348 : vector<16xi32> to vector<16xf32>
      %shift_left3A_350 = arith.constant 16 : i32
      %shift_left3A_351 = vector.broadcast %shift_left3A_350 : i32 to vector<16xi32>
      %shift_left3A_352 = arith.shli %bitcast3A_345, %shift_left3A_351 : vector<16xi32>
      %bitcast3A_353 = vector.bitcast %shift_left3A_352 : vector<16xi32> to vector<16xf32>
      %min3A_354 = arith.minimumf %bitcast3A_353, %bitcast3A_349 : vector<16xf32>
      %lt3A_355 = arith.constant 0 : i32
      %lt3A_356 = vector.broadcast %lt3A_355 : i32 to vector<16xi32>
      %lt3A_357 = arith.cmpi slt, %xor3A_33, %lt3A_356 : vector<16xi32>
      %add3A_358 = arith.constant 16 : i32
      %add3A_359 = vector.broadcast %add3A_358 : i32 to vector<16xi32>
      %add3A_360 = arith.addi %xor3A_33, %add3A_359 : vector<16xi32>
      %select_n3A_361 = arith.select %lt3A_357, %add3A_360, %xor3A_33 : vector<16xi1>, vector<16xi32>
      %broadcast_in_dim3A_362 = vector.shape_cast %select_n3A_361 : vector<16xi32> to vector<16x1xi32>
      %gather3A_363 = vector.shape_cast %broadcast_in_dim3A_362 : vector<16x1xi32> to vector<16xi32>
      %gather3A_364 = tpu.dynamic_gather %min3A_354[%gather3A_363] in [0] : vector<16xf32>, vector<16xi32> -> vector<16xf32>
      %min3A_365 = arith.minimumf %min3A_354, %gather3A_364 : vector<16xf32>
      %lt3A_366 = arith.constant 0 : i32
      %lt3A_367 = vector.broadcast %lt3A_366 : i32 to vector<16xi32>
      %lt3A_368 = arith.cmpi slt, %xor3A_36, %lt3A_367 : vector<16xi32>
      %add3A_369 = arith.constant 16 : i32
      %add3A_370 = vector.broadcast %add3A_369 : i32 to vector<16xi32>
      %add3A_371 = arith.addi %xor3A_36, %add3A_370 : vector<16xi32>
      %select_n3A_372 = arith.select %lt3A_368, %add3A_371, %xor3A_36 : vector<16xi1>, vector<16xi32>
      %broadcast_in_dim3A_373 = vector.shape_cast %select_n3A_372 : vector<16xi32> to vector<16x1xi32>
      %gather3A_374 = vector.shape_cast %broadcast_in_dim3A_373 : vector<16x1xi32> to vector<16xi32>
      %gather3A_375 = tpu.dynamic_gather %min3A_365[%gather3A_374] in [0] : vector<16xf32>, vector<16xi32> -> vector<16xf32>
      %min3A_376 = arith.minimumf %min3A_365, %gather3A_375 : vector<16xf32>
      %lt3A_377 = arith.constant 0 : i32
      %lt3A_378 = vector.broadcast %lt3A_377 : i32 to vector<16xi32>
      %lt3A_379 = arith.cmpi slt, %xor3A_39, %lt3A_378 : vector<16xi32>
      %add3A_380 = arith.constant 16 : i32
      %add3A_381 = vector.broadcast %add3A_380 : i32 to vector<16xi32>
      %add3A_382 = arith.addi %xor3A_39, %add3A_381 : vector<16xi32>
      %select_n3A_383 = arith.select %lt3A_379, %add3A_382, %xor3A_39 : vector<16xi1>, vector<16xi32>
      %broadcast_in_dim3A_384 = vector.shape_cast %select_n3A_383 : vector<16xi32> to vector<16x1xi32>
      %gather3A_385 = vector.shape_cast %broadcast_in_dim3A_384 : vector<16x1xi32> to vector<16xi32>
      %gather3A_386 = tpu.dynamic_gather %min3A_376[%gather3A_385] in [0] : vector<16xf32>, vector<16xi32> -> vector<16xf32>
      %min3A_387 = arith.minimumf %min3A_376, %gather3A_386 : vector<16xf32>
      %lt3A_388 = arith.constant 0 : i32
      %lt3A_389 = vector.broadcast %lt3A_388 : i32 to vector<16xi32>
      %lt3A_390 = arith.cmpi slt, %xor3A_42, %lt3A_389 : vector<16xi32>
      %add3A_391 = arith.constant 16 : i32
      %add3A_392 = vector.broadcast %add3A_391 : i32 to vector<16xi32>
      %add3A_393 = arith.addi %xor3A_42, %add3A_392 : vector<16xi32>
      %select_n3A_394 = arith.select %lt3A_390, %add3A_393, %xor3A_42 : vector<16xi1>, vector<16xi32>
      %broadcast_in_dim3A_395 = vector.shape_cast %select_n3A_394 : vector<16xi32> to vector<16x1xi32>
      %gather3A_396 = vector.shape_cast %broadcast_in_dim3A_395 : vector<16x1xi32> to vector<16xi32>
      %gather3A_397 = tpu.dynamic_gather %min3A_387[%gather3A_396] in [0] : vector<16xf32>, vector<16xi32> -> vector<16xf32>
      %min3A_398 = arith.minimumf %min3A_387, %gather3A_397 : vector<16xf32>
      %add3A_399 = arith.addf %add3A_344, %min3A_398 : vector<16xf32>
      %bitcast3A_400 = vector.bitcast %scan3A_181#4 : vector<32xbf16> to vector<16xi32>
      %and3A_401 = arith.constant -65536 : i32
      %and3A_402 = vector.broadcast %and3A_401 : i32 to vector<16xi32>
      %and3A_403 = arith.andi %bitcast3A_400, %and3A_402 : vector<16xi32>
      %bitcast3A_404 = vector.bitcast %and3A_403 : vector<16xi32> to vector<16xf32>
      %shift_left3A_405 = arith.constant 16 : i32
      %shift_left3A_406 = vector.broadcast %shift_left3A_405 : i32 to vector<16xi32>
      %shift_left3A_407 = arith.shli %bitcast3A_400, %shift_left3A_406 : vector<16xi32>
      %bitcast3A_408 = vector.bitcast %shift_left3A_407 : vector<16xi32> to vector<16xf32>
      %min3A_409 = arith.minimumf %bitcast3A_408, %bitcast3A_404 : vector<16xf32>
      %lt3A_410 = arith.constant 0 : i32
      %lt3A_411 = vector.broadcast %lt3A_410 : i32 to vector<16xi32>
      %lt3A_412 = arith.cmpi slt, %xor3A_33, %lt3A_411 : vector<16xi32>
      %add3A_413 = arith.constant 16 : i32
      %add3A_414 = vector.broadcast %add3A_413 : i32 to vector<16xi32>
      %add3A_415 = arith.addi %xor3A_33, %add3A_414 : vector<16xi32>
      %select_n3A_416 = arith.select %lt3A_412, %add3A_415, %xor3A_33 : vector<16xi1>, vector<16xi32>
      %broadcast_in_dim3A_417 = vector.shape_cast %select_n3A_416 : vector<16xi32> to vector<16x1xi32>
      %gather3A_418 = vector.shape_cast %broadcast_in_dim3A_417 : vector<16x1xi32> to vector<16xi32>
      %gather3A_419 = tpu.dynamic_gather %min3A_409[%gather3A_418] in [0] : vector<16xf32>, vector<16xi32> -> vector<16xf32>
      %min3A_420 = arith.minimumf %min3A_409, %gather3A_419 : vector<16xf32>
      %lt3A_421 = arith.constant 0 : i32
      %lt3A_422 = vector.broadcast %lt3A_421 : i32 to vector<16xi32>
      %lt3A_423 = arith.cmpi slt, %xor3A_36, %lt3A_422 : vector<16xi32>
      %add3A_424 = arith.constant 16 : i32
      %add3A_425 = vector.broadcast %add3A_424 : i32 to vector<16xi32>
      %add3A_426 = arith.addi %xor3A_36, %add3A_425 : vector<16xi32>
      %select_n3A_427 = arith.select %lt3A_423, %add3A_426, %xor3A_36 : vector<16xi1>, vector<16xi32>
      %broadcast_in_dim3A_428 = vector.shape_cast %select_n3A_427 : vector<16xi32> to vector<16x1xi32>
      %gather3A_429 = vector.shape_cast %broadcast_in_dim3A_428 : vector<16x1xi32> to vector<16xi32>
      %gather3A_430 = tpu.dynamic_gather %min3A_420[%gather3A_429] in [0] : vector<16xf32>, vector<16xi32> -> vector<16xf32>
      %min3A_431 = arith.minimumf %min3A_420, %gather3A_430 : vector<16xf32>
      %lt3A_432 = arith.constant 0 : i32
      %lt3A_433 = vector.broadcast %lt3A_432 : i32 to vector<16xi32>
      %lt3A_434 = arith.cmpi slt, %xor3A_39, %lt3A_433 : vector<16xi32>
      %add3A_435 = arith.constant 16 : i32
      %add3A_436 = vector.broadcast %add3A_435 : i32 to vector<16xi32>
      %add3A_437 = arith.addi %xor3A_39, %add3A_436 : vector<16xi32>
      %select_n3A_438 = arith.select %lt3A_434, %add3A_437, %xor3A_39 : vector<16xi1>, vector<16xi32>
      %broadcast_in_dim3A_439 = vector.shape_cast %select_n3A_438 : vector<16xi32> to vector<16x1xi32>
      %gather3A_440 = vector.shape_cast %broadcast_in_dim3A_439 : vector<16x1xi32> to vector<16xi32>
      %gather3A_441 = tpu.dynamic_gather %min3A_431[%gather3A_440] in [0] : vector<16xf32>, vector<16xi32> -> vector<16xf32>
      %min3A_442 = arith.minimumf %min3A_431, %gather3A_441 : vector<16xf32>
      %lt3A_443 = arith.constant 0 : i32
      %lt3A_444 = vector.broadcast %lt3A_443 : i32 to vector<16xi32>
      %lt3A_445 = arith.cmpi slt, %xor3A_42, %lt3A_444 : vector<16xi32>
      %add3A_446 = arith.constant 16 : i32
      %add3A_447 = vector.broadcast %add3A_446 : i32 to vector<16xi32>
      %add3A_448 = arith.addi %xor3A_42, %add3A_447 : vector<16xi32>
      %select_n3A_449 = arith.select %lt3A_445, %add3A_448, %xor3A_42 : vector<16xi1>, vector<16xi32>
      %broadcast_in_dim3A_450 = vector.shape_cast %select_n3A_449 : vector<16xi32> to vector<16x1xi32>
      %gather3A_451 = vector.shape_cast %broadcast_in_dim3A_450 : vector<16x1xi32> to vector<16xi32>
      %gather3A_452 = tpu.dynamic_gather %min3A_442[%gather3A_451] in [0] : vector<16xf32>, vector<16xi32> -> vector<16xf32>
      %min3A_453 = arith.minimumf %min3A_442, %gather3A_452 : vector<16xf32>
      %add3A_454 = arith.addf %add3A_399, %min3A_453 : vector<16xf32>
      %bitcast3A_455 = vector.bitcast %scan3A_181#5 : vector<32xbf16> to vector<16xi32>
      %and3A_456 = arith.constant -65536 : i32
      %and3A_457 = vector.broadcast %and3A_456 : i32 to vector<16xi32>
      %and3A_458 = arith.andi %bitcast3A_455, %and3A_457 : vector<16xi32>
      %bitcast3A_459 = vector.bitcast %and3A_458 : vector<16xi32> to vector<16xf32>
      %shift_left3A_460 = arith.constant 16 : i32
      %shift_left3A_461 = vector.broadcast %shift_left3A_460 : i32 to vector<16xi32>
      %shift_left3A_462 = arith.shli %bitcast3A_455, %shift_left3A_461 : vector<16xi32>
      %bitcast3A_463 = vector.bitcast %shift_left3A_462 : vector<16xi32> to vector<16xf32>
      %min3A_464 = arith.minimumf %bitcast3A_463, %bitcast3A_459 : vector<16xf32>
      %lt3A_465 = arith.constant 0 : i32
      %lt3A_466 = vector.broadcast %lt3A_465 : i32 to vector<16xi32>
      %lt3A_467 = arith.cmpi slt, %xor3A_33, %lt3A_466 : vector<16xi32>
      %add3A_468 = arith.constant 16 : i32
      %add3A_469 = vector.broadcast %add3A_468 : i32 to vector<16xi32>
      %add3A_470 = arith.addi %xor3A_33, %add3A_469 : vector<16xi32>
      %select_n3A_471 = arith.select %lt3A_467, %add3A_470, %xor3A_33 : vector<16xi1>, vector<16xi32>
      %broadcast_in_dim3A_472 = vector.shape_cast %select_n3A_471 : vector<16xi32> to vector<16x1xi32>
      %gather3A_473 = vector.shape_cast %broadcast_in_dim3A_472 : vector<16x1xi32> to vector<16xi32>
      %gather3A_474 = tpu.dynamic_gather %min3A_464[%gather3A_473] in [0] : vector<16xf32>, vector<16xi32> -> vector<16xf32>
      %min3A_475 = arith.minimumf %min3A_464, %gather3A_474 : vector<16xf32>
      %lt3A_476 = arith.constant 0 : i32
      %lt3A_477 = vector.broadcast %lt3A_476 : i32 to vector<16xi32>
      %lt3A_478 = arith.cmpi slt, %xor3A_36, %lt3A_477 : vector<16xi32>
      %add3A_479 = arith.constant 16 : i32
      %add3A_480 = vector.broadcast %add3A_479 : i32 to vector<16xi32>
      %add3A_481 = arith.addi %xor3A_36, %add3A_480 : vector<16xi32>
      %select_n3A_482 = arith.select %lt3A_478, %add3A_481, %xor3A_36 : vector<16xi1>, vector<16xi32>
      %broadcast_in_dim3A_483 = vector.shape_cast %select_n3A_482 : vector<16xi32> to vector<16x1xi32>
      %gather3A_484 = vector.shape_cast %broadcast_in_dim3A_483 : vector<16x1xi32> to vector<16xi32>
      %gather3A_485 = tpu.dynamic_gather %min3A_475[%gather3A_484] in [0] : vector<16xf32>, vector<16xi32> -> vector<16xf32>
      %min3A_486 = arith.minimumf %min3A_475, %gather3A_485 : vector<16xf32>
      %lt3A_487 = arith.constant 0 : i32
      %lt3A_488 = vector.broadcast %lt3A_487 : i32 to vector<16xi32>
      %lt3A_489 = arith.cmpi slt, %xor3A_39, %lt3A_488 : vector<16xi32>
      %add3A_490 = arith.constant 16 : i32
      %add3A_491 = vector.broadcast %add3A_490 : i32 to vector<16xi32>
      %add3A_492 = arith.addi %xor3A_39, %add3A_491 : vector<16xi32>
      %select_n3A_493 = arith.select %lt3A_489, %add3A_492, %xor3A_39 : vector<16xi1>, vector<16xi32>
      %broadcast_in_dim3A_494 = vector.shape_cast %select_n3A_493 : vector<16xi32> to vector<16x1xi32>
      %gather3A_495 = vector.shape_cast %broadcast_in_dim3A_494 : vector<16x1xi32> to vector<16xi32>
      %gather3A_496 = tpu.dynamic_gather %min3A_486[%gather3A_495] in [0] : vector<16xf32>, vector<16xi32> -> vector<16xf32>
      %min3A_497 = arith.minimumf %min3A_486, %gather3A_496 : vector<16xf32>
      %lt3A_498 = arith.constant 0 : i32
      %lt3A_499 = vector.broadcast %lt3A_498 : i32 to vector<16xi32>
      %lt3A_500 = arith.cmpi slt, %xor3A_42, %lt3A_499 : vector<16xi32>
      %add3A_501 = arith.constant 16 : i32
      %add3A_502 = vector.broadcast %add3A_501 : i32 to vector<16xi32>
      %add3A_503 = arith.addi %xor3A_42, %add3A_502 : vector<16xi32>
      %select_n3A_504 = arith.select %lt3A_500, %add3A_503, %xor3A_42 : vector<16xi1>, vector<16xi32>
      %broadcast_in_dim3A_505 = vector.shape_cast %select_n3A_504 : vector<16xi32> to vector<16x1xi32>
      %gather3A_506 = vector.shape_cast %broadcast_in_dim3A_505 : vector<16x1xi32> to vector<16xi32>
      %gather3A_507 = tpu.dynamic_gather %min3A_497[%gather3A_506] in [0] : vector<16xf32>, vector<16xi32> -> vector<16xf32>
      %min3A_508 = arith.minimumf %min3A_497, %gather3A_507 : vector<16xf32>
      %add3A_509 = arith.addf %add3A_454, %min3A_508 : vector<16xf32>
      %bitcast3A_510 = vector.bitcast %scan3A_181#6 : vector<32xbf16> to vector<16xi32>
      %and3A_511 = arith.constant -65536 : i32
      %and3A_512 = vector.broadcast %and3A_511 : i32 to vector<16xi32>
      %and3A_513 = arith.andi %bitcast3A_510, %and3A_512 : vector<16xi32>
      %bitcast3A_514 = vector.bitcast %and3A_513 : vector<16xi32> to vector<16xf32>
      %shift_left3A_515 = arith.constant 16 : i32
      %shift_left3A_516 = vector.broadcast %shift_left3A_515 : i32 to vector<16xi32>
      %shift_left3A_517 = arith.shli %bitcast3A_510, %shift_left3A_516 : vector<16xi32>
      %bitcast3A_518 = vector.bitcast %shift_left3A_517 : vector<16xi32> to vector<16xf32>
      %min3A_519 = arith.minimumf %bitcast3A_518, %bitcast3A_514 : vector<16xf32>
      %lt3A_520 = arith.constant 0 : i32
      %lt3A_521 = vector.broadcast %lt3A_520 : i32 to vector<16xi32>
      %lt3A_522 = arith.cmpi slt, %xor3A_33, %lt3A_521 : vector<16xi32>
      %add3A_523 = arith.constant 16 : i32
      %add3A_524 = vector.broadcast %add3A_523 : i32 to vector<16xi32>
      %add3A_525 = arith.addi %xor3A_33, %add3A_524 : vector<16xi32>
      %select_n3A_526 = arith.select %lt3A_522, %add3A_525, %xor3A_33 : vector<16xi1>, vector<16xi32>
      %broadcast_in_dim3A_527 = vector.shape_cast %select_n3A_526 : vector<16xi32> to vector<16x1xi32>
      %gather3A_528 = vector.shape_cast %broadcast_in_dim3A_527 : vector<16x1xi32> to vector<16xi32>
      %gather3A_529 = tpu.dynamic_gather %min3A_519[%gather3A_528] in [0] : vector<16xf32>, vector<16xi32> -> vector<16xf32>
      %min3A_530 = arith.minimumf %min3A_519, %gather3A_529 : vector<16xf32>
      %lt3A_531 = arith.constant 0 : i32
      %lt3A_532 = vector.broadcast %lt3A_531 : i32 to vector<16xi32>
      %lt3A_533 = arith.cmpi slt, %xor3A_36, %lt3A_532 : vector<16xi32>
      %add3A_534 = arith.constant 16 : i32
      %add3A_535 = vector.broadcast %add3A_534 : i32 to vector<16xi32>
      %add3A_536 = arith.addi %xor3A_36, %add3A_535 : vector<16xi32>
      %select_n3A_537 = arith.select %lt3A_533, %add3A_536, %xor3A_36 : vector<16xi1>, vector<16xi32>
      %broadcast_in_dim3A_538 = vector.shape_cast %select_n3A_537 : vector<16xi32> to vector<16x1xi32>
      %gather3A_539 = vector.shape_cast %broadcast_in_dim3A_538 : vector<16x1xi32> to vector<16xi32>
      %gather3A_540 = tpu.dynamic_gather %min3A_530[%gather3A_539] in [0] : vector<16xf32>, vector<16xi32> -> vector<16xf32>
      %min3A_541 = arith.minimumf %min3A_530, %gather3A_540 : vector<16xf32>
      %lt3A_542 = arith.constant 0 : i32
      %lt3A_543 = vector.broadcast %lt3A_542 : i32 to vector<16xi32>
      %lt3A_544 = arith.cmpi slt, %xor3A_39, %lt3A_543 : vector<16xi32>
      %add3A_545 = arith.constant 16 : i32
      %add3A_546 = vector.broadcast %add3A_545 : i32 to vector<16xi32>
      %add3A_547 = arith.addi %xor3A_39, %add3A_546 : vector<16xi32>
      %select_n3A_548 = arith.select %lt3A_544, %add3A_547, %xor3A_39 : vector<16xi1>, vector<16xi32>
      %broadcast_in_dim3A_549 = vector.shape_cast %select_n3A_548 : vector<16xi32> to vector<16x1xi32>
      %gather3A_550 = vector.shape_cast %broadcast_in_dim3A_549 : vector<16x1xi32> to vector<16xi32>
      %gather3A_551 = tpu.dynamic_gather %min3A_541[%gather3A_550] in [0] : vector<16xf32>, vector<16xi32> -> vector<16xf32>
      %min3A_552 = arith.minimumf %min3A_541, %gather3A_551 : vector<16xf32>
      %lt3A_553 = arith.constant 0 : i32
      %lt3A_554 = vector.broadcast %lt3A_553 : i32 to vector<16xi32>
      %lt3A_555 = arith.cmpi slt, %xor3A_42, %lt3A_554 : vector<16xi32>
      %add3A_556 = arith.constant 16 : i32
      %add3A_557 = vector.broadcast %add3A_556 : i32 to vector<16xi32>
      %add3A_558 = arith.addi %xor3A_42, %add3A_557 : vector<16xi32>
      %select_n3A_559 = arith.select %lt3A_555, %add3A_558, %xor3A_42 : vector<16xi1>, vector<16xi32>
      %broadcast_in_dim3A_560 = vector.shape_cast %select_n3A_559 : vector<16xi32> to vector<16x1xi32>
      %gather3A_561 = vector.shape_cast %broadcast_in_dim3A_560 : vector<16x1xi32> to vector<16xi32>
      %gather3A_562 = tpu.dynamic_gather %min3A_552[%gather3A_561] in [0] : vector<16xf32>, vector<16xi32> -> vector<16xf32>
      %min3A_563 = arith.minimumf %min3A_552, %gather3A_562 : vector<16xf32>
      %add3A_564 = arith.addf %add3A_509, %min3A_563 : vector<16xf32>
      %bitcast3A_565 = vector.bitcast %scan3A_181#7 : vector<32xbf16> to vector<16xi32>
      %and3A_566 = arith.constant -65536 : i32
      %and3A_567 = vector.broadcast %and3A_566 : i32 to vector<16xi32>
      %and3A_568 = arith.andi %bitcast3A_565, %and3A_567 : vector<16xi32>
      %bitcast3A_569 = vector.bitcast %and3A_568 : vector<16xi32> to vector<16xf32>
      %shift_left3A_570 = arith.constant 16 : i32
      %shift_left3A_571 = vector.broadcast %shift_left3A_570 : i32 to vector<16xi32>
      %shift_left3A_572 = arith.shli %bitcast3A_565, %shift_left3A_571 : vector<16xi32>
      %bitcast3A_573 = vector.bitcast %shift_left3A_572 : vector<16xi32> to vector<16xf32>
      %min3A_574 = arith.minimumf %bitcast3A_573, %bitcast3A_569 : vector<16xf32>
      %lt3A_575 = arith.constant 0 : i32
      %lt3A_576 = vector.broadcast %lt3A_575 : i32 to vector<16xi32>
      %lt3A_577 = arith.cmpi slt, %xor3A_33, %lt3A_576 : vector<16xi32>
      %add3A_578 = arith.constant 16 : i32
      %add3A_579 = vector.broadcast %add3A_578 : i32 to vector<16xi32>
      %add3A_580 = arith.addi %xor3A_33, %add3A_579 : vector<16xi32>
      %select_n3A_581 = arith.select %lt3A_577, %add3A_580, %xor3A_33 : vector<16xi1>, vector<16xi32>
      %broadcast_in_dim3A_582 = vector.shape_cast %select_n3A_581 : vector<16xi32> to vector<16x1xi32>
      %gather3A_583 = vector.shape_cast %broadcast_in_dim3A_582 : vector<16x1xi32> to vector<16xi32>
      %gather3A_584 = tpu.dynamic_gather %min3A_574[%gather3A_583] in [0] : vector<16xf32>, vector<16xi32> -> vector<16xf32>
      %min3A_585 = arith.minimumf %min3A_574, %gather3A_584 : vector<16xf32>
      %lt3A_586 = arith.constant 0 : i32
      %lt3A_587 = vector.broadcast %lt3A_586 : i32 to vector<16xi32>
      %lt3A_588 = arith.cmpi slt, %xor3A_36, %lt3A_587 : vector<16xi32>
      %add3A_589 = arith.constant 16 : i32
      %add3A_590 = vector.broadcast %add3A_589 : i32 to vector<16xi32>
      %add3A_591 = arith.addi %xor3A_36, %add3A_590 : vector<16xi32>
      %select_n3A_592 = arith.select %lt3A_588, %add3A_591, %xor3A_36 : vector<16xi1>, vector<16xi32>
      %broadcast_in_dim3A_593 = vector.shape_cast %select_n3A_592 : vector<16xi32> to vector<16x1xi32>
      %gather3A_594 = vector.shape_cast %broadcast_in_dim3A_593 : vector<16x1xi32> to vector<16xi32>
      %gather3A_595 = tpu.dynamic_gather %min3A_585[%gather3A_594] in [0] : vector<16xf32>, vector<16xi32> -> vector<16xf32>
      %min3A_596 = arith.minimumf %min3A_585, %gather3A_595 : vector<16xf32>
      %lt3A_597 = arith.constant 0 : i32
      %lt3A_598 = vector.broadcast %lt3A_597 : i32 to vector<16xi32>
      %lt3A_599 = arith.cmpi slt, %xor3A_39, %lt3A_598 : vector<16xi32>
      %add3A_600 = arith.constant 16 : i32
      %add3A_601 = vector.broadcast %add3A_600 : i32 to vector<16xi32>
      %add3A_602 = arith.addi %xor3A_39, %add3A_601 : vector<16xi32>
      %select_n3A_603 = arith.select %lt3A_599, %add3A_602, %xor3A_39 : vector<16xi1>, vector<16xi32>
      %broadcast_in_dim3A_604 = vector.shape_cast %select_n3A_603 : vector<16xi32> to vector<16x1xi32>
      %gather3A_605 = vector.shape_cast %broadcast_in_dim3A_604 : vector<16x1xi32> to vector<16xi32>
      %gather3A_606 = tpu.dynamic_gather %min3A_596[%gather3A_605] in [0] : vector<16xf32>, vector<16xi32> -> vector<16xf32>
      %min3A_607 = arith.minimumf %min3A_596, %gather3A_606 : vector<16xf32>
      %lt3A_608 = arith.constant 0 : i32
      %lt3A_609 = vector.broadcast %lt3A_608 : i32 to vector<16xi32>
      %lt3A_610 = arith.cmpi slt, %xor3A_42, %lt3A_609 : vector<16xi32>
      %add3A_611 = arith.constant 16 : i32
      %add3A_612 = vector.broadcast %add3A_611 : i32 to vector<16xi32>
      %add3A_613 = arith.addi %xor3A_42, %add3A_612 : vector<16xi32>
      %select_n3A_614 = arith.select %lt3A_610, %add3A_613, %xor3A_42 : vector<16xi1>, vector<16xi32>
      %broadcast_in_dim3A_615 = vector.shape_cast %select_n3A_614 : vector<16xi32> to vector<16x1xi32>
      %gather3A_616 = vector.shape_cast %broadcast_in_dim3A_615 : vector<16x1xi32> to vector<16xi32>
      %gather3A_617 = tpu.dynamic_gather %min3A_607[%gather3A_616] in [0] : vector<16xf32>, vector<16xi32> -> vector<16xf32>
      %min3A_618 = arith.minimumf %min3A_607, %gather3A_617 : vector<16xf32>
      %add3A_619 = arith.addf %add3A_564, %min3A_618 : vector<16xf32>
      %slice3A_620 = vector.extract_strided_slice %get3A_75 {offsets = [8], sizes = [1], strides = [1]} : vector<16xi32> to vector<1xi32>
      %squeeze3A_621 = vector.extract %slice3A_620[0] : i32 from vector<1xi32>
      %broadcast_in_dim3A_622 = vector.broadcast %squeeze3A_621 : i32 to vector<16xi32>
      %bitcast3A_623 = vector.bitcast %broadcast_in_dim3A_622 : vector<16xi32> to vector<32xbf16>
      %slice3A_624 = vector.extract_strided_slice %get3A_75 {offsets = [9], sizes = [1], strides = [1]} : vector<16xi32> to vector<1xi32>
      %squeeze3A_625 = vector.extract %slice3A_624[0] : i32 from vector<1xi32>
      %broadcast_in_dim3A_626 = vector.broadcast %squeeze3A_625 : i32 to vector<16xi32>
      %bitcast3A_627 = vector.bitcast %broadcast_in_dim3A_626 : vector<16xi32> to vector<32xbf16>
      %slice3A_628 = vector.extract_strided_slice %get3A_75 {offsets = [10], sizes = [1], strides = [1]} : vector<16xi32> to vector<1xi32>
      %squeeze3A_629 = vector.extract %slice3A_628[0] : i32 from vector<1xi32>
      %broadcast_in_dim3A_630 = vector.broadcast %squeeze3A_629 : i32 to vector<16xi32>
      %bitcast3A_631 = vector.bitcast %broadcast_in_dim3A_630 : vector<16xi32> to vector<32xbf16>
      %slice3A_632 = vector.extract_strided_slice %get3A_75 {offsets = [11], sizes = [1], strides = [1]} : vector<16xi32> to vector<1xi32>
      %squeeze3A_633 = vector.extract %slice3A_632[0] : i32 from vector<1xi32>
      %broadcast_in_dim3A_634 = vector.broadcast %squeeze3A_633 : i32 to vector<16xi32>
      %bitcast3A_635 = vector.bitcast %broadcast_in_dim3A_634 : vector<16xi32> to vector<32xbf16>
      %slice3A_636 = vector.extract_strided_slice %get3A_75 {offsets = [12], sizes = [1], strides = [1]} : vector<16xi32> to vector<1xi32>
      %squeeze3A_637 = vector.extract %slice3A_636[0] : i32 from vector<1xi32>
      %broadcast_in_dim3A_638 = vector.broadcast %squeeze3A_637 : i32 to vector<16xi32>
      %bitcast3A_639 = vector.bitcast %broadcast_in_dim3A_638 : vector<16xi32> to vector<32xbf16>
      %slice3A_640 = vector.extract_strided_slice %get3A_75 {offsets = [13], sizes = [1], strides = [1]} : vector<16xi32> to vector<1xi32>
      %squeeze3A_641 = vector.extract %slice3A_640[0] : i32 from vector<1xi32>
      %broadcast_in_dim3A_642 = vector.broadcast %squeeze3A_641 : i32 to vector<16xi32>
      %bitcast3A_643 = vector.bitcast %broadcast_in_dim3A_642 : vector<16xi32> to vector<32xbf16>
      %slice3A_644 = vector.extract_strided_slice %get3A_75 {offsets = [14], sizes = [1], strides = [1]} : vector<16xi32> to vector<1xi32>
      %squeeze3A_645 = vector.extract %slice3A_644[0] : i32 from vector<1xi32>
      %broadcast_in_dim3A_646 = vector.broadcast %squeeze3A_645 : i32 to vector<16xi32>
      %bitcast3A_647 = vector.bitcast %broadcast_in_dim3A_646 : vector<16xi32> to vector<32xbf16>
      %slice3A_648 = vector.extract_strided_slice %get3A_75 {offsets = [15], sizes = [1], strides = [1]} : vector<16xi32> to vector<1xi32>
      %squeeze3A_649 = vector.extract %slice3A_648[0] : i32 from vector<1xi32>
      %broadcast_in_dim3A_650 = vector.broadcast %squeeze3A_649 : i32 to vector<16xi32>
      %bitcast3A_651 = vector.bitcast %broadcast_in_dim3A_650 : vector<16xi32> to vector<32xbf16>
      %slice3A_652 = vector.extract_strided_slice %get3A_79 {offsets = [8], sizes = [1], strides = [1]} : vector<16xi32> to vector<1xi32>
      %squeeze3A_653 = vector.extract %slice3A_652[0] : i32 from vector<1xi32>
      %broadcast_in_dim3A_654 = vector.broadcast %squeeze3A_653 : i32 to vector<16xi32>
      %bitcast3A_655 = vector.bitcast %broadcast_in_dim3A_654 : vector<16xi32> to vector<32xbf16>
      %slice3A_656 = vector.extract_strided_slice %get3A_79 {offsets = [9], sizes = [1], strides = [1]} : vector<16xi32> to vector<1xi32>
      %squeeze3A_657 = vector.extract %slice3A_656[0] : i32 from vector<1xi32>
      %broadcast_in_dim3A_658 = vector.broadcast %squeeze3A_657 : i32 to vector<16xi32>
      %bitcast3A_659 = vector.bitcast %broadcast_in_dim3A_658 : vector<16xi32> to vector<32xbf16>
      %slice3A_660 = vector.extract_strided_slice %get3A_79 {offsets = [10], sizes = [1], strides = [1]} : vector<16xi32> to vector<1xi32>
      %squeeze3A_661 = vector.extract %slice3A_660[0] : i32 from vector<1xi32>
      %broadcast_in_dim3A_662 = vector.broadcast %squeeze3A_661 : i32 to vector<16xi32>
      %bitcast3A_663 = vector.bitcast %broadcast_in_dim3A_662 : vector<16xi32> to vector<32xbf16>
      %slice3A_664 = vector.extract_strided_slice %get3A_79 {offsets = [11], sizes = [1], strides = [1]} : vector<16xi32> to vector<1xi32>
      %squeeze3A_665 = vector.extract %slice3A_664[0] : i32 from vector<1xi32>
      %broadcast_in_dim3A_666 = vector.broadcast %squeeze3A_665 : i32 to vector<16xi32>
      %bitcast3A_667 = vector.bitcast %broadcast_in_dim3A_666 : vector<16xi32> to vector<32xbf16>
      %slice3A_668 = vector.extract_strided_slice %get3A_79 {offsets = [12], sizes = [1], strides = [1]} : vector<16xi32> to vector<1xi32>
      %squeeze3A_669 = vector.extract %slice3A_668[0] : i32 from vector<1xi32>
      %broadcast_in_dim3A_670 = vector.broadcast %squeeze3A_669 : i32 to vector<16xi32>
      %bitcast3A_671 = vector.bitcast %broadcast_in_dim3A_670 : vector<16xi32> to vector<32xbf16>
      %slice3A_672 = vector.extract_strided_slice %get3A_79 {offsets = [13], sizes = [1], strides = [1]} : vector<16xi32> to vector<1xi32>
      %squeeze3A_673 = vector.extract %slice3A_672[0] : i32 from vector<1xi32>
      %broadcast_in_dim3A_674 = vector.broadcast %squeeze3A_673 : i32 to vector<16xi32>
      %bitcast3A_675 = vector.bitcast %broadcast_in_dim3A_674 : vector<16xi32> to vector<32xbf16>
      %slice3A_676 = vector.extract_strided_slice %get3A_79 {offsets = [14], sizes = [1], strides = [1]} : vector<16xi32> to vector<1xi32>
      %squeeze3A_677 = vector.extract %slice3A_676[0] : i32 from vector<1xi32>
      %broadcast_in_dim3A_678 = vector.broadcast %squeeze3A_677 : i32 to vector<16xi32>
      %bitcast3A_679 = vector.bitcast %broadcast_in_dim3A_678 : vector<16xi32> to vector<32xbf16>
      %slice3A_680 = vector.extract_strided_slice %get3A_79 {offsets = [15], sizes = [1], strides = [1]} : vector<16xi32> to vector<1xi32>
      %squeeze3A_681 = vector.extract %slice3A_680[0] : i32 from vector<1xi32>
      %broadcast_in_dim3A_682 = vector.broadcast %squeeze3A_681 : i32 to vector<16xi32>
      %bitcast3A_683 = vector.bitcast %broadcast_in_dim3A_682 : vector<16xi32> to vector<32xbf16>
      %slice3A_684 = vector.extract_strided_slice %get3A_83 {offsets = [8], sizes = [1], strides = [1]} : vector<16xi32> to vector<1xi32>
      %squeeze3A_685 = vector.extract %slice3A_684[0] : i32 from vector<1xi32>
      %broadcast_in_dim3A_686 = vector.broadcast %squeeze3A_685 : i32 to vector<16xi32>
      %bitcast3A_687 = vector.bitcast %broadcast_in_dim3A_686 : vector<16xi32> to vector<32xbf16>
      %slice3A_688 = vector.extract_strided_slice %get3A_83 {offsets = [9], sizes = [1], strides = [1]} : vector<16xi32> to vector<1xi32>
      %squeeze3A_689 = vector.extract %slice3A_688[0] : i32 from vector<1xi32>
      %broadcast_in_dim3A_690 = vector.broadcast %squeeze3A_689 : i32 to vector<16xi32>
      %bitcast3A_691 = vector.bitcast %broadcast_in_dim3A_690 : vector<16xi32> to vector<32xbf16>
      %slice3A_692 = vector.extract_strided_slice %get3A_83 {offsets = [10], sizes = [1], strides = [1]} : vector<16xi32> to vector<1xi32>
      %squeeze3A_693 = vector.extract %slice3A_692[0] : i32 from vector<1xi32>
      %broadcast_in_dim3A_694 = vector.broadcast %squeeze3A_693 : i32 to vector<16xi32>
      %bitcast3A_695 = vector.bitcast %broadcast_in_dim3A_694 : vector<16xi32> to vector<32xbf16>
      %slice3A_696 = vector.extract_strided_slice %get3A_83 {offsets = [11], sizes = [1], strides = [1]} : vector<16xi32> to vector<1xi32>
      %squeeze3A_697 = vector.extract %slice3A_696[0] : i32 from vector<1xi32>
      %broadcast_in_dim3A_698 = vector.broadcast %squeeze3A_697 : i32 to vector<16xi32>
      %bitcast3A_699 = vector.bitcast %broadcast_in_dim3A_698 : vector<16xi32> to vector<32xbf16>
      %slice3A_700 = vector.extract_strided_slice %get3A_83 {offsets = [12], sizes = [1], strides = [1]} : vector<16xi32> to vector<1xi32>
      %squeeze3A_701 = vector.extract %slice3A_700[0] : i32 from vector<1xi32>
      %broadcast_in_dim3A_702 = vector.broadcast %squeeze3A_701 : i32 to vector<16xi32>
      %bitcast3A_703 = vector.bitcast %broadcast_in_dim3A_702 : vector<16xi32> to vector<32xbf16>
      %slice3A_704 = vector.extract_strided_slice %get3A_83 {offsets = [13], sizes = [1], strides = [1]} : vector<16xi32> to vector<1xi32>
      %squeeze3A_705 = vector.extract %slice3A_704[0] : i32 from vector<1xi32>
      %broadcast_in_dim3A_706 = vector.broadcast %squeeze3A_705 : i32 to vector<16xi32>
      %bitcast3A_707 = vector.bitcast %broadcast_in_dim3A_706 : vector<16xi32> to vector<32xbf16>
      %slice3A_708 = vector.extract_strided_slice %get3A_83 {offsets = [14], sizes = [1], strides = [1]} : vector<16xi32> to vector<1xi32>
      %squeeze3A_709 = vector.extract %slice3A_708[0] : i32 from vector<1xi32>
      %broadcast_in_dim3A_710 = vector.broadcast %squeeze3A_709 : i32 to vector<16xi32>
      %bitcast3A_711 = vector.bitcast %broadcast_in_dim3A_710 : vector<16xi32> to vector<32xbf16>
      %slice3A_712 = vector.extract_strided_slice %get3A_83 {offsets = [15], sizes = [1], strides = [1]} : vector<16xi32> to vector<1xi32>
      %squeeze3A_713 = vector.extract %slice3A_712[0] : i32 from vector<1xi32>
      %broadcast_in_dim3A_714 = vector.broadcast %squeeze3A_713 : i32 to vector<16xi32>
      %bitcast3A_715 = vector.bitcast %broadcast_in_dim3A_714 : vector<16xi32> to vector<32xbf16>
      %scan3A_716 = arith.constant 0 : i32
      %scan3A_717 = arith.constant 64 : i32
      %scan3A_718 = arith.addi %scan3A_716, %scan3A_717 : i32
      %scan3A_719 = arith.constant 1 : i32
      %scan3A_720:8 = scf.for %scan3A_1162 = %scan3A_716 to %scan3A_718 step %scan3A_719 iter_args(%scan3A_1163 = %broadcast_in_dim3A_31, %scan3A_1164 = %broadcast_in_dim3A_31, %scan3A_1165 = %broadcast_in_dim3A_31, %scan3A_1166 = %broadcast_in_dim3A_31, %scan3A_1167 = %broadcast_in_dim3A_31, %scan3A_1168 = %broadcast_in_dim3A_31, %scan3A_1169 = %broadcast_in_dim3A_31, %scan3A_1170 = %broadcast_in_dim3A_31) -> (vector<32xbf16>, vector<32xbf16>, vector<32xbf16>, vector<32xbf16>, vector<32xbf16>, vector<32xbf16>, vector<32xbf16>, vector<32xbf16>)  : i32 {
        %mul3A_1171 = arith.constant 32 : i32
        %mul3A_1172 = arith.muli %scan3A_1162, %mul3A_1171 : i32
        %get3A_1173 = arith.constant 0 : i32
        %get3A_1174 = arith.index_cast %get3A_1173 : i32 to index
        %get3A_1175 = arith.index_cast %mul3A_1172 : i32 to index
        %get3A_1176 = tpu.vector_load %arg6[%get3A_1174, %get3A_1175] {strides = array<i32>} : memref<3x2048xbf16, #tpu.memory_space<vmem>>, vector<32xbf16>,
        %get3A_1177 = arith.constant 1 : i32
        %get3A_1178 = arith.index_cast %get3A_1177 : i32 to index
        %get3A_1179 = arith.index_cast %mul3A_1172 : i32 to index
        %get3A_1180 = tpu.vector_load %arg6[%get3A_1178, %get3A_1179] {strides = array<i32>} : memref<3x2048xbf16, #tpu.memory_space<vmem>>, vector<32xbf16>,
        %get3A_1181 = arith.constant 2 : i32
        %get3A_1182 = arith.index_cast %get3A_1181 : i32 to index
        %get3A_1183 = arith.index_cast %mul3A_1172 : i32 to index
        %get3A_1184 = tpu.vector_load %arg6[%get3A_1182, %get3A_1183] {strides = array<i32>} : memref<3x2048xbf16, #tpu.memory_space<vmem>>, vector<32xbf16>,
        %get3A_1185 = arith.index_cast %mul3A_1172 : i32 to index
        %get3A_1186 = tpu.vector_load %arg7[%get3A_1185] {strides = array<i32>} : memref<2048xbf16, #tpu.memory_space<vmem>>, vector<32xbf16>,
        %sub3A_1187 = arith.subf %get3A_1176, %bitcast3A_623 : vector<32xbf16>
        %sub3A_1188 = arith.subf %get3A_1180, %bitcast3A_655 : vector<32xbf16>
        %sub3A_1189 = arith.subf %get3A_1184, %bitcast3A_687 : vector<32xbf16>
        %mul3A_1190 = arith.mulf %sub3A_1187, %sub3A_1187 : vector<32xbf16>
        %mul3A_1191 = arith.mulf %sub3A_1188, %sub3A_1188 : vector<32xbf16>
        %add3A_1192 = arith.addf %mul3A_1190, %mul3A_1191 : vector<32xbf16>
        %mul3A_1193 = arith.mulf %sub3A_1189, %sub3A_1189 : vector<32xbf16>
        %add3A_1194 = arith.addf %add3A_1192, %mul3A_1193 : vector<32xbf16>
        %min3A_1195 = arith.minimumf %scan3A_1163, %add3A_1194 : vector<32xbf16>
        %min3A_1196 = arith.minimumf %get3A_1186, %add3A_1194 : vector<32xbf16>
        %sub3A_1197 = arith.subf %get3A_1176, %bitcast3A_627 : vector<32xbf16>
        %sub3A_1198 = arith.subf %get3A_1180, %bitcast3A_659 : vector<32xbf16>
        %sub3A_1199 = arith.subf %get3A_1184, %bitcast3A_691 : vector<32xbf16>
        %mul3A_1200 = arith.mulf %sub3A_1197, %sub3A_1197 : vector<32xbf16>
        %mul3A_1201 = arith.mulf %sub3A_1198, %sub3A_1198 : vector<32xbf16>
        %add3A_1202 = arith.addf %mul3A_1200, %mul3A_1201 : vector<32xbf16>
        %mul3A_1203 = arith.mulf %sub3A_1199, %sub3A_1199 : vector<32xbf16>
        %add3A_1204 = arith.addf %add3A_1202, %mul3A_1203 : vector<32xbf16>
        %min3A_1205 = arith.minimumf %scan3A_1164, %add3A_1204 : vector<32xbf16>
        %min3A_1206 = arith.minimumf %min3A_1196, %add3A_1204 : vector<32xbf16>
        %sub3A_1207 = arith.subf %get3A_1176, %bitcast3A_631 : vector<32xbf16>
        %sub3A_1208 = arith.subf %get3A_1180, %bitcast3A_663 : vector<32xbf16>
        %sub3A_1209 = arith.subf %get3A_1184, %bitcast3A_695 : vector<32xbf16>
        %mul3A_1210 = arith.mulf %sub3A_1207, %sub3A_1207 : vector<32xbf16>
        %mul3A_1211 = arith.mulf %sub3A_1208, %sub3A_1208 : vector<32xbf16>
        %add3A_1212 = arith.addf %mul3A_1210, %mul3A_1211 : vector<32xbf16>
        %mul3A_1213 = arith.mulf %sub3A_1209, %sub3A_1209 : vector<32xbf16>
        %add3A_1214 = arith.addf %add3A_1212, %mul3A_1213 : vector<32xbf16>
        %min3A_1215 = arith.minimumf %scan3A_1165, %add3A_1214 : vector<32xbf16>
        %min3A_1216 = arith.minimumf %min3A_1206, %add3A_1214 : vector<32xbf16>
        %sub3A_1217 = arith.subf %get3A_1176, %bitcast3A_635 : vector<32xbf16>
        %sub3A_1218 = arith.subf %get3A_1180, %bitcast3A_667 : vector<32xbf16>
        %sub3A_1219 = arith.subf %get3A_1184, %bitcast3A_699 : vector<32xbf16>
        %mul3A_1220 = arith.mulf %sub3A_1217, %sub3A_1217 : vector<32xbf16>
        %mul3A_1221 = arith.mulf %sub3A_1218, %sub3A_1218 : vector<32xbf16>
        %add3A_1222 = arith.addf %mul3A_1220, %mul3A_1221 : vector<32xbf16>
        %mul3A_1223 = arith.mulf %sub3A_1219, %sub3A_1219 : vector<32xbf16>
        %add3A_1224 = arith.addf %add3A_1222, %mul3A_1223 : vector<32xbf16>
        %min3A_1225 = arith.minimumf %scan3A_1166, %add3A_1224 : vector<32xbf16>
        %min3A_1226 = arith.minimumf %min3A_1216, %add3A_1224 : vector<32xbf16>
        %sub3A_1227 = arith.subf %get3A_1176, %bitcast3A_639 : vector<32xbf16>
        %sub3A_1228 = arith.subf %get3A_1180, %bitcast3A_671 : vector<32xbf16>
        %sub3A_1229 = arith.subf %get3A_1184, %bitcast3A_703 : vector<32xbf16>
        %mul3A_1230 = arith.mulf %sub3A_1227, %sub3A_1227 : vector<32xbf16>
        %mul3A_1231 = arith.mulf %sub3A_1228, %sub3A_1228 : vector<32xbf16>
        %add3A_1232 = arith.addf %mul3A_1230, %mul3A_1231 : vector<32xbf16>
        %mul3A_1233 = arith.mulf %sub3A_1229, %sub3A_1229 : vector<32xbf16>
        %add3A_1234 = arith.addf %add3A_1232, %mul3A_1233 : vector<32xbf16>
        %min3A_1235 = arith.minimumf %scan3A_1167, %add3A_1234 : vector<32xbf16>
        %min3A_1236 = arith.minimumf %min3A_1226, %add3A_1234 : vector<32xbf16>
        %sub3A_1237 = arith.subf %get3A_1176, %bitcast3A_643 : vector<32xbf16>
        %sub3A_1238 = arith.subf %get3A_1180, %bitcast3A_675 : vector<32xbf16>
        %sub3A_1239 = arith.subf %get3A_1184, %bitcast3A_707 : vector<32xbf16>
        %mul3A_1240 = arith.mulf %sub3A_1237, %sub3A_1237 : vector<32xbf16>
        %mul3A_1241 = arith.mulf %sub3A_1238, %sub3A_1238 : vector<32xbf16>
        %add3A_1242 = arith.addf %mul3A_1240, %mul3A_1241 : vector<32xbf16>
        %mul3A_1243 = arith.mulf %sub3A_1239, %sub3A_1239 : vector<32xbf16>
        %add3A_1244 = arith.addf %add3A_1242, %mul3A_1243 : vector<32xbf16>
        %min3A_1245 = arith.minimumf %scan3A_1168, %add3A_1244 : vector<32xbf16>
        %min3A_1246 = arith.minimumf %min3A_1236, %add3A_1244 : vector<32xbf16>
        %sub3A_1247 = arith.subf %get3A_1176, %bitcast3A_647 : vector<32xbf16>
        %sub3A_1248 = arith.subf %get3A_1180, %bitcast3A_679 : vector<32xbf16>
        %sub3A_1249 = arith.subf %get3A_1184, %bitcast3A_711 : vector<32xbf16>
        %mul3A_1250 = arith.mulf %sub3A_1247, %sub3A_1247 : vector<32xbf16>
        %mul3A_1251 = arith.mulf %sub3A_1248, %sub3A_1248 : vector<32xbf16>
        %add3A_1252 = arith.addf %mul3A_1250, %mul3A_1251 : vector<32xbf16>
        %mul3A_1253 = arith.mulf %sub3A_1249, %sub3A_1249 : vector<32xbf16>
        %add3A_1254 = arith.addf %add3A_1252, %mul3A_1253 : vector<32xbf16>
        %min3A_1255 = arith.minimumf %scan3A_1169, %add3A_1254 : vector<32xbf16>
        %min3A_1256 = arith.minimumf %min3A_1246, %add3A_1254 : vector<32xbf16>
        %sub3A_1257 = arith.subf %get3A_1176, %bitcast3A_651 : vector<32xbf16>
        %sub3A_1258 = arith.subf %get3A_1180, %bitcast3A_683 : vector<32xbf16>
        %sub3A_1259 = arith.subf %get3A_1184, %bitcast3A_715 : vector<32xbf16>
        %mul3A_1260 = arith.mulf %sub3A_1257, %sub3A_1257 : vector<32xbf16>
        %mul3A_1261 = arith.mulf %sub3A_1258, %sub3A_1258 : vector<32xbf16>
        %add3A_1262 = arith.addf %mul3A_1260, %mul3A_1261 : vector<32xbf16>
        %mul3A_1263 = arith.mulf %sub3A_1259, %sub3A_1259 : vector<32xbf16>
        %add3A_1264 = arith.addf %add3A_1262, %mul3A_1263 : vector<32xbf16>
        %min3A_1265 = arith.minimumf %scan3A_1170, %add3A_1264 : vector<32xbf16>
        %min3A_1266 = arith.minimumf %min3A_1256, %add3A_1264 : vector<32xbf16>
        %swap3A = arith.index_cast %mul3A_1172 : i32 to index
        %swap3A_1267 = tpu.vector_load %arg7[%swap3A] {strides = array<i32>} : memref<2048xbf16, #tpu.memory_space<vmem>>, vector<32xbf16>,
        tpu.vector_store %arg7[%swap3A], %min3A_1266 {strides = array<i32>} : memref<2048xbf16, #tpu.memory_space<vmem>>, vector<32xbf16>,
        scf.yield %min3A_1195, %min3A_1205, %min3A_1215, %min3A_1225, %min3A_1235, %min3A_1245, %min3A_1255, %min3A_1265 : vector<32xbf16>, vector<32xbf16>, vector<32xbf16>, vector<32xbf16>, vector<32xbf16>, vector<32xbf16>, vector<32xbf16>, vector<32xbf16>
      }
      %scan3A_721 = arith.constant 64 : i32
      %bitcast3A_722 = vector.bitcast %scan3A_720#0 : vector<32xbf16> to vector<16xi32>
      %and3A_723 = arith.constant -65536 : i32
      %and3A_724 = vector.broadcast %and3A_723 : i32 to vector<16xi32>
      %and3A_725 = arith.andi %bitcast3A_722, %and3A_724 : vector<16xi32>
      %bitcast3A_726 = vector.bitcast %and3A_725 : vector<16xi32> to vector<16xf32>
      %shift_left3A_727 = arith.constant 16 : i32
      %shift_left3A_728 = vector.broadcast %shift_left3A_727 : i32 to vector<16xi32>
      %shift_left3A_729 = arith.shli %bitcast3A_722, %shift_left3A_728 : vector<16xi32>
      %bitcast3A_730 = vector.bitcast %shift_left3A_729 : vector<16xi32> to vector<16xf32>
      %min3A_731 = arith.minimumf %bitcast3A_730, %bitcast3A_726 : vector<16xf32>
      %lt3A_732 = arith.constant 0 : i32
      %lt3A_733 = vector.broadcast %lt3A_732 : i32 to vector<16xi32>
      %lt3A_734 = arith.cmpi slt, %xor3A_33, %lt3A_733 : vector<16xi32>
      %add3A_735 = arith.constant 16 : i32
      %add3A_736 = vector.broadcast %add3A_735 : i32 to vector<16xi32>
      %add3A_737 = arith.addi %xor3A_33, %add3A_736 : vector<16xi32>
      %select_n3A_738 = arith.select %lt3A_734, %add3A_737, %xor3A_33 : vector<16xi1>, vector<16xi32>
      %broadcast_in_dim3A_739 = vector.shape_cast %select_n3A_738 : vector<16xi32> to vector<16x1xi32>
      %gather3A_740 = vector.shape_cast %broadcast_in_dim3A_739 : vector<16x1xi32> to vector<16xi32>
      %gather3A_741 = tpu.dynamic_gather %min3A_731[%gather3A_740] in [0] : vector<16xf32>, vector<16xi32> -> vector<16xf32>
      %min3A_742 = arith.minimumf %min3A_731, %gather3A_741 : vector<16xf32>
      %lt3A_743 = arith.constant 0 : i32
      %lt3A_744 = vector.broadcast %lt3A_743 : i32 to vector<16xi32>
      %lt3A_745 = arith.cmpi slt, %xor3A_36, %lt3A_744 : vector<16xi32>
      %add3A_746 = arith.constant 16 : i32
      %add3A_747 = vector.broadcast %add3A_746 : i32 to vector<16xi32>
      %add3A_748 = arith.addi %xor3A_36, %add3A_747 : vector<16xi32>
      %select_n3A_749 = arith.select %lt3A_745, %add3A_748, %xor3A_36 : vector<16xi1>, vector<16xi32>
      %broadcast_in_dim3A_750 = vector.shape_cast %select_n3A_749 : vector<16xi32> to vector<16x1xi32>
      %gather3A_751 = vector.shape_cast %broadcast_in_dim3A_750 : vector<16x1xi32> to vector<16xi32>
      %gather3A_752 = tpu.dynamic_gather %min3A_742[%gather3A_751] in [0] : vector<16xf32>, vector<16xi32> -> vector<16xf32>
      %min3A_753 = arith.minimumf %min3A_742, %gather3A_752 : vector<16xf32>
      %lt3A_754 = arith.constant 0 : i32
      %lt3A_755 = vector.broadcast %lt3A_754 : i32 to vector<16xi32>
      %lt3A_756 = arith.cmpi slt, %xor3A_39, %lt3A_755 : vector<16xi32>
      %add3A_757 = arith.constant 16 : i32
      %add3A_758 = vector.broadcast %add3A_757 : i32 to vector<16xi32>
      %add3A_759 = arith.addi %xor3A_39, %add3A_758 : vector<16xi32>
      %select_n3A_760 = arith.select %lt3A_756, %add3A_759, %xor3A_39 : vector<16xi1>, vector<16xi32>
      %broadcast_in_dim3A_761 = vector.shape_cast %select_n3A_760 : vector<16xi32> to vector<16x1xi32>
      %gather3A_762 = vector.shape_cast %broadcast_in_dim3A_761 : vector<16x1xi32> to vector<16xi32>
      %gather3A_763 = tpu.dynamic_gather %min3A_753[%gather3A_762] in [0] : vector<16xf32>, vector<16xi32> -> vector<16xf32>
      %min3A_764 = arith.minimumf %min3A_753, %gather3A_763 : vector<16xf32>
      %lt3A_765 = arith.constant 0 : i32
      %lt3A_766 = vector.broadcast %lt3A_765 : i32 to vector<16xi32>
      %lt3A_767 = arith.cmpi slt, %xor3A_42, %lt3A_766 : vector<16xi32>
      %add3A_768 = arith.constant 16 : i32
      %add3A_769 = vector.broadcast %add3A_768 : i32 to vector<16xi32>
      %add3A_770 = arith.addi %xor3A_42, %add3A_769 : vector<16xi32>
      %select_n3A_771 = arith.select %lt3A_767, %add3A_770, %xor3A_42 : vector<16xi1>, vector<16xi32>
      %broadcast_in_dim3A_772 = vector.shape_cast %select_n3A_771 : vector<16xi32> to vector<16x1xi32>
      %gather3A_773 = vector.shape_cast %broadcast_in_dim3A_772 : vector<16x1xi32> to vector<16xi32>
      %gather3A_774 = tpu.dynamic_gather %min3A_764[%gather3A_773] in [0] : vector<16xf32>, vector<16xi32> -> vector<16xf32>
      %min3A_775 = arith.minimumf %min3A_764, %gather3A_774 : vector<16xf32>
      %add3A_776 = arith.addf %add3A_619, %min3A_775 : vector<16xf32>
      %bitcast3A_777 = vector.bitcast %scan3A_720#1 : vector<32xbf16> to vector<16xi32>
      %and3A_778 = arith.constant -65536 : i32
      %and3A_779 = vector.broadcast %and3A_778 : i32 to vector<16xi32>
      %and3A_780 = arith.andi %bitcast3A_777, %and3A_779 : vector<16xi32>
      %bitcast3A_781 = vector.bitcast %and3A_780 : vector<16xi32> to vector<16xf32>
      %shift_left3A_782 = arith.constant 16 : i32
      %shift_left3A_783 = vector.broadcast %shift_left3A_782 : i32 to vector<16xi32>
      %shift_left3A_784 = arith.shli %bitcast3A_777, %shift_left3A_783 : vector<16xi32>
      %bitcast3A_785 = vector.bitcast %shift_left3A_784 : vector<16xi32> to vector<16xf32>
      %min3A_786 = arith.minimumf %bitcast3A_785, %bitcast3A_781 : vector<16xf32>
      %lt3A_787 = arith.constant 0 : i32
      %lt3A_788 = vector.broadcast %lt3A_787 : i32 to vector<16xi32>
      %lt3A_789 = arith.cmpi slt, %xor3A_33, %lt3A_788 : vector<16xi32>
      %add3A_790 = arith.constant 16 : i32
      %add3A_791 = vector.broadcast %add3A_790 : i32 to vector<16xi32>
      %add3A_792 = arith.addi %xor3A_33, %add3A_791 : vector<16xi32>
      %select_n3A_793 = arith.select %lt3A_789, %add3A_792, %xor3A_33 : vector<16xi1>, vector<16xi32>
      %broadcast_in_dim3A_794 = vector.shape_cast %select_n3A_793 : vector<16xi32> to vector<16x1xi32>
      %gather3A_795 = vector.shape_cast %broadcast_in_dim3A_794 : vector<16x1xi32> to vector<16xi32>
      %gather3A_796 = tpu.dynamic_gather %min3A_786[%gather3A_795] in [0] : vector<16xf32>, vector<16xi32> -> vector<16xf32>
      %min3A_797 = arith.minimumf %min3A_786, %gather3A_796 : vector<16xf32>
      %lt3A_798 = arith.constant 0 : i32
      %lt3A_799 = vector.broadcast %lt3A_798 : i32 to vector<16xi32>
      %lt3A_800 = arith.cmpi slt, %xor3A_36, %lt3A_799 : vector<16xi32>
      %add3A_801 = arith.constant 16 : i32
      %add3A_802 = vector.broadcast %add3A_801 : i32 to vector<16xi32>
      %add3A_803 = arith.addi %xor3A_36, %add3A_802 : vector<16xi32>
      %select_n3A_804 = arith.select %lt3A_800, %add3A_803, %xor3A_36 : vector<16xi1>, vector<16xi32>
      %broadcast_in_dim3A_805 = vector.shape_cast %select_n3A_804 : vector<16xi32> to vector<16x1xi32>
      %gather3A_806 = vector.shape_cast %broadcast_in_dim3A_805 : vector<16x1xi32> to vector<16xi32>
      %gather3A_807 = tpu.dynamic_gather %min3A_797[%gather3A_806] in [0] : vector<16xf32>, vector<16xi32> -> vector<16xf32>
      %min3A_808 = arith.minimumf %min3A_797, %gather3A_807 : vector<16xf32>
      %lt3A_809 = arith.constant 0 : i32
      %lt3A_810 = vector.broadcast %lt3A_809 : i32 to vector<16xi32>
      %lt3A_811 = arith.cmpi slt, %xor3A_39, %lt3A_810 : vector<16xi32>
      %add3A_812 = arith.constant 16 : i32
      %add3A_813 = vector.broadcast %add3A_812 : i32 to vector<16xi32>
      %add3A_814 = arith.addi %xor3A_39, %add3A_813 : vector<16xi32>
      %select_n3A_815 = arith.select %lt3A_811, %add3A_814, %xor3A_39 : vector<16xi1>, vector<16xi32>
      %broadcast_in_dim3A_816 = vector.shape_cast %select_n3A_815 : vector<16xi32> to vector<16x1xi32>
      %gather3A_817 = vector.shape_cast %broadcast_in_dim3A_816 : vector<16x1xi32> to vector<16xi32>
      %gather3A_818 = tpu.dynamic_gather %min3A_808[%gather3A_817] in [0] : vector<16xf32>, vector<16xi32> -> vector<16xf32>
      %min3A_819 = arith.minimumf %min3A_808, %gather3A_818 : vector<16xf32>
      %lt3A_820 = arith.constant 0 : i32
      %lt3A_821 = vector.broadcast %lt3A_820 : i32 to vector<16xi32>
      %lt3A_822 = arith.cmpi slt, %xor3A_42, %lt3A_821 : vector<16xi32>
      %add3A_823 = arith.constant 16 : i32
      %add3A_824 = vector.broadcast %add3A_823 : i32 to vector<16xi32>
      %add3A_825 = arith.addi %xor3A_42, %add3A_824 : vector<16xi32>
      %select_n3A_826 = arith.select %lt3A_822, %add3A_825, %xor3A_42 : vector<16xi1>, vector<16xi32>
      %broadcast_in_dim3A_827 = vector.shape_cast %select_n3A_826 : vector<16xi32> to vector<16x1xi32>
      %gather3A_828 = vector.shape_cast %broadcast_in_dim3A_827 : vector<16x1xi32> to vector<16xi32>
      %gather3A_829 = tpu.dynamic_gather %min3A_819[%gather3A_828] in [0] : vector<16xf32>, vector<16xi32> -> vector<16xf32>
      %min3A_830 = arith.minimumf %min3A_819, %gather3A_829 : vector<16xf32>
      %add3A_831 = arith.addf %add3A_776, %min3A_830 : vector<16xf32>
      %bitcast3A_832 = vector.bitcast %scan3A_720#2 : vector<32xbf16> to vector<16xi32>
      %and3A_833 = arith.constant -65536 : i32
      %and3A_834 = vector.broadcast %and3A_833 : i32 to vector<16xi32>
      %and3A_835 = arith.andi %bitcast3A_832, %and3A_834 : vector<16xi32>
      %bitcast3A_836 = vector.bitcast %and3A_835 : vector<16xi32> to vector<16xf32>
      %shift_left3A_837 = arith.constant 16 : i32
      %shift_left3A_838 = vector.broadcast %shift_left3A_837 : i32 to vector<16xi32>
      %shift_left3A_839 = arith.shli %bitcast3A_832, %shift_left3A_838 : vector<16xi32>
      %bitcast3A_840 = vector.bitcast %shift_left3A_839 : vector<16xi32> to vector<16xf32>
      %min3A_841 = arith.minimumf %bitcast3A_840, %bitcast3A_836 : vector<16xf32>
      %lt3A_842 = arith.constant 0 : i32
      %lt3A_843 = vector.broadcast %lt3A_842 : i32 to vector<16xi32>
      %lt3A_844 = arith.cmpi slt, %xor3A_33, %lt3A_843 : vector<16xi32>
      %add3A_845 = arith.constant 16 : i32
      %add3A_846 = vector.broadcast %add3A_845 : i32 to vector<16xi32>
      %add3A_847 = arith.addi %xor3A_33, %add3A_846 : vector<16xi32>
      %select_n3A_848 = arith.select %lt3A_844, %add3A_847, %xor3A_33 : vector<16xi1>, vector<16xi32>
      %broadcast_in_dim3A_849 = vector.shape_cast %select_n3A_848 : vector<16xi32> to vector<16x1xi32>
      %gather3A_850 = vector.shape_cast %broadcast_in_dim3A_849 : vector<16x1xi32> to vector<16xi32>
      %gather3A_851 = tpu.dynamic_gather %min3A_841[%gather3A_850] in [0] : vector<16xf32>, vector<16xi32> -> vector<16xf32>
      %min3A_852 = arith.minimumf %min3A_841, %gather3A_851 : vector<16xf32>
      %lt3A_853 = arith.constant 0 : i32
      %lt3A_854 = vector.broadcast %lt3A_853 : i32 to vector<16xi32>
      %lt3A_855 = arith.cmpi slt, %xor3A_36, %lt3A_854 : vector<16xi32>
      %add3A_856 = arith.constant 16 : i32
      %add3A_857 = vector.broadcast %add3A_856 : i32 to vector<16xi32>
      %add3A_858 = arith.addi %xor3A_36, %add3A_857 : vector<16xi32>
      %select_n3A_859 = arith.select %lt3A_855, %add3A_858, %xor3A_36 : vector<16xi1>, vector<16xi32>
      %broadcast_in_dim3A_860 = vector.shape_cast %select_n3A_859 : vector<16xi32> to vector<16x1xi32>
      %gather3A_861 = vector.shape_cast %broadcast_in_dim3A_860 : vector<16x1xi32> to vector<16xi32>
      %gather3A_862 = tpu.dynamic_gather %min3A_852[%gather3A_861] in [0] : vector<16xf32>, vector<16xi32> -> vector<16xf32>
      %min3A_863 = arith.minimumf %min3A_852, %gather3A_862 : vector<16xf32>
      %lt3A_864 = arith.constant 0 : i32
      %lt3A_865 = vector.broadcast %lt3A_864 : i32 to vector<16xi32>
      %lt3A_866 = arith.cmpi slt, %xor3A_39, %lt3A_865 : vector<16xi32>
      %add3A_867 = arith.constant 16 : i32
      %add3A_868 = vector.broadcast %add3A_867 : i32 to vector<16xi32>
      %add3A_869 = arith.addi %xor3A_39, %add3A_868 : vector<16xi32>
      %select_n3A_870 = arith.select %lt3A_866, %add3A_869, %xor3A_39 : vector<16xi1>, vector<16xi32>
      %broadcast_in_dim3A_871 = vector.shape_cast %select_n3A_870 : vector<16xi32> to vector<16x1xi32>
      %gather3A_872 = vector.shape_cast %broadcast_in_dim3A_871 : vector<16x1xi32> to vector<16xi32>
      %gather3A_873 = tpu.dynamic_gather %min3A_863[%gather3A_872] in [0] : vector<16xf32>, vector<16xi32> -> vector<16xf32>
      %min3A_874 = arith.minimumf %min3A_863, %gather3A_873 : vector<16xf32>
      %lt3A_875 = arith.constant 0 : i32
      %lt3A_876 = vector.broadcast %lt3A_875 : i32 to vector<16xi32>
      %lt3A_877 = arith.cmpi slt, %xor3A_42, %lt3A_876 : vector<16xi32>
      %add3A_878 = arith.constant 16 : i32
      %add3A_879 = vector.broadcast %add3A_878 : i32 to vector<16xi32>
      %add3A_880 = arith.addi %xor3A_42, %add3A_879 : vector<16xi32>
      %select_n3A_881 = arith.select %lt3A_877, %add3A_880, %xor3A_42 : vector<16xi1>, vector<16xi32>
      %broadcast_in_dim3A_882 = vector.shape_cast %select_n3A_881 : vector<16xi32> to vector<16x1xi32>
      %gather3A_883 = vector.shape_cast %broadcast_in_dim3A_882 : vector<16x1xi32> to vector<16xi32>
      %gather3A_884 = tpu.dynamic_gather %min3A_874[%gather3A_883] in [0] : vector<16xf32>, vector<16xi32> -> vector<16xf32>
      %min3A_885 = arith.minimumf %min3A_874, %gather3A_884 : vector<16xf32>
      %add3A_886 = arith.addf %add3A_831, %min3A_885 : vector<16xf32>
      %bitcast3A_887 = vector.bitcast %scan3A_720#3 : vector<32xbf16> to vector<16xi32>
      %and3A_888 = arith.constant -65536 : i32
      %and3A_889 = vector.broadcast %and3A_888 : i32 to vector<16xi32>
      %and3A_890 = arith.andi %bitcast3A_887, %and3A_889 : vector<16xi32>
      %bitcast3A_891 = vector.bitcast %and3A_890 : vector<16xi32> to vector<16xf32>
      %shift_left3A_892 = arith.constant 16 : i32
      %shift_left3A_893 = vector.broadcast %shift_left3A_892 : i32 to vector<16xi32>
      %shift_left3A_894 = arith.shli %bitcast3A_887, %shift_left3A_893 : vector<16xi32>
      %bitcast3A_895 = vector.bitcast %shift_left3A_894 : vector<16xi32> to vector<16xf32>
      %min3A_896 = arith.minimumf %bitcast3A_895, %bitcast3A_891 : vector<16xf32>
      %lt3A_897 = arith.constant 0 : i32
      %lt3A_898 = vector.broadcast %lt3A_897 : i32 to vector<16xi32>
      %lt3A_899 = arith.cmpi slt, %xor3A_33, %lt3A_898 : vector<16xi32>
      %add3A_900 = arith.constant 16 : i32
      %add3A_901 = vector.broadcast %add3A_900 : i32 to vector<16xi32>
      %add3A_902 = arith.addi %xor3A_33, %add3A_901 : vector<16xi32>
      %select_n3A_903 = arith.select %lt3A_899, %add3A_902, %xor3A_33 : vector<16xi1>, vector<16xi32>
      %broadcast_in_dim3A_904 = vector.shape_cast %select_n3A_903 : vector<16xi32> to vector<16x1xi32>
      %gather3A_905 = vector.shape_cast %broadcast_in_dim3A_904 : vector<16x1xi32> to vector<16xi32>
      %gather3A_906 = tpu.dynamic_gather %min3A_896[%gather3A_905] in [0] : vector<16xf32>, vector<16xi32> -> vector<16xf32>
      %min3A_907 = arith.minimumf %min3A_896, %gather3A_906 : vector<16xf32>
      %lt3A_908 = arith.constant 0 : i32
      %lt3A_909 = vector.broadcast %lt3A_908 : i32 to vector<16xi32>
      %lt3A_910 = arith.cmpi slt, %xor3A_36, %lt3A_909 : vector<16xi32>
      %add3A_911 = arith.constant 16 : i32
      %add3A_912 = vector.broadcast %add3A_911 : i32 to vector<16xi32>
      %add3A_913 = arith.addi %xor3A_36, %add3A_912 : vector<16xi32>
      %select_n3A_914 = arith.select %lt3A_910, %add3A_913, %xor3A_36 : vector<16xi1>, vector<16xi32>
      %broadcast_in_dim3A_915 = vector.shape_cast %select_n3A_914 : vector<16xi32> to vector<16x1xi32>
      %gather3A_916 = vector.shape_cast %broadcast_in_dim3A_915 : vector<16x1xi32> to vector<16xi32>
      %gather3A_917 = tpu.dynamic_gather %min3A_907[%gather3A_916] in [0] : vector<16xf32>, vector<16xi32> -> vector<16xf32>
      %min3A_918 = arith.minimumf %min3A_907, %gather3A_917 : vector<16xf32>
      %lt3A_919 = arith.constant 0 : i32
      %lt3A_920 = vector.broadcast %lt3A_919 : i32 to vector<16xi32>
      %lt3A_921 = arith.cmpi slt, %xor3A_39, %lt3A_920 : vector<16xi32>
      %add3A_922 = arith.constant 16 : i32
      %add3A_923 = vector.broadcast %add3A_922 : i32 to vector<16xi32>
      %add3A_924 = arith.addi %xor3A_39, %add3A_923 : vector<16xi32>
      %select_n3A_925 = arith.select %lt3A_921, %add3A_924, %xor3A_39 : vector<16xi1>, vector<16xi32>
      %broadcast_in_dim3A_926 = vector.shape_cast %select_n3A_925 : vector<16xi32> to vector<16x1xi32>
      %gather3A_927 = vector.shape_cast %broadcast_in_dim3A_926 : vector<16x1xi32> to vector<16xi32>
      %gather3A_928 = tpu.dynamic_gather %min3A_918[%gather3A_927] in [0] : vector<16xf32>, vector<16xi32> -> vector<16xf32>
      %min3A_929 = arith.minimumf %min3A_918, %gather3A_928 : vector<16xf32>
      %lt3A_930 = arith.constant 0 : i32
      %lt3A_931 = vector.broadcast %lt3A_930 : i32 to vector<16xi32>
      %lt3A_932 = arith.cmpi slt, %xor3A_42, %lt3A_931 : vector<16xi32>
      %add3A_933 = arith.constant 16 : i32
      %add3A_934 = vector.broadcast %add3A_933 : i32 to vector<16xi32>
      %add3A_935 = arith.addi %xor3A_42, %add3A_934 : vector<16xi32>
      %select_n3A_936 = arith.select %lt3A_932, %add3A_935, %xor3A_42 : vector<16xi1>, vector<16xi32>
      %broadcast_in_dim3A_937 = vector.shape_cast %select_n3A_936 : vector<16xi32> to vector<16x1xi32>
      %gather3A_938 = vector.shape_cast %broadcast_in_dim3A_937 : vector<16x1xi32> to vector<16xi32>
      %gather3A_939 = tpu.dynamic_gather %min3A_929[%gather3A_938] in [0] : vector<16xf32>, vector<16xi32> -> vector<16xf32>
      %min3A_940 = arith.minimumf %min3A_929, %gather3A_939 : vector<16xf32>
      %add3A_941 = arith.addf %add3A_886, %min3A_940 : vector<16xf32>
      %bitcast3A_942 = vector.bitcast %scan3A_720#4 : vector<32xbf16> to vector<16xi32>
      %and3A_943 = arith.constant -65536 : i32
      %and3A_944 = vector.broadcast %and3A_943 : i32 to vector<16xi32>
      %and3A_945 = arith.andi %bitcast3A_942, %and3A_944 : vector<16xi32>
      %bitcast3A_946 = vector.bitcast %and3A_945 : vector<16xi32> to vector<16xf32>
      %shift_left3A_947 = arith.constant 16 : i32
      %shift_left3A_948 = vector.broadcast %shift_left3A_947 : i32 to vector<16xi32>
      %shift_left3A_949 = arith.shli %bitcast3A_942, %shift_left3A_948 : vector<16xi32>
      %bitcast3A_950 = vector.bitcast %shift_left3A_949 : vector<16xi32> to vector<16xf32>
      %min3A_951 = arith.minimumf %bitcast3A_950, %bitcast3A_946 : vector<16xf32>
      %lt3A_952 = arith.constant 0 : i32
      %lt3A_953 = vector.broadcast %lt3A_952 : i32 to vector<16xi32>
      %lt3A_954 = arith.cmpi slt, %xor3A_33, %lt3A_953 : vector<16xi32>
      %add3A_955 = arith.constant 16 : i32
      %add3A_956 = vector.broadcast %add3A_955 : i32 to vector<16xi32>
      %add3A_957 = arith.addi %xor3A_33, %add3A_956 : vector<16xi32>
      %select_n3A_958 = arith.select %lt3A_954, %add3A_957, %xor3A_33 : vector<16xi1>, vector<16xi32>
      %broadcast_in_dim3A_959 = vector.shape_cast %select_n3A_958 : vector<16xi32> to vector<16x1xi32>
      %gather3A_960 = vector.shape_cast %broadcast_in_dim3A_959 : vector<16x1xi32> to vector<16xi32>
      %gather3A_961 = tpu.dynamic_gather %min3A_951[%gather3A_960] in [0] : vector<16xf32>, vector<16xi32> -> vector<16xf32>
      %min3A_962 = arith.minimumf %min3A_951, %gather3A_961 : vector<16xf32>
      %lt3A_963 = arith.constant 0 : i32
      %lt3A_964 = vector.broadcast %lt3A_963 : i32 to vector<16xi32>
      %lt3A_965 = arith.cmpi slt, %xor3A_36, %lt3A_964 : vector<16xi32>
      %add3A_966 = arith.constant 16 : i32
      %add3A_967 = vector.broadcast %add3A_966 : i32 to vector<16xi32>
      %add3A_968 = arith.addi %xor3A_36, %add3A_967 : vector<16xi32>
      %select_n3A_969 = arith.select %lt3A_965, %add3A_968, %xor3A_36 : vector<16xi1>, vector<16xi32>
      %broadcast_in_dim3A_970 = vector.shape_cast %select_n3A_969 : vector<16xi32> to vector<16x1xi32>
      %gather3A_971 = vector.shape_cast %broadcast_in_dim3A_970 : vector<16x1xi32> to vector<16xi32>
      %gather3A_972 = tpu.dynamic_gather %min3A_962[%gather3A_971] in [0] : vector<16xf32>, vector<16xi32> -> vector<16xf32>
      %min3A_973 = arith.minimumf %min3A_962, %gather3A_972 : vector<16xf32>
      %lt3A_974 = arith.constant 0 : i32
      %lt3A_975 = vector.broadcast %lt3A_974 : i32 to vector<16xi32>
      %lt3A_976 = arith.cmpi slt, %xor3A_39, %lt3A_975 : vector<16xi32>
      %add3A_977 = arith.constant 16 : i32
      %add3A_978 = vector.broadcast %add3A_977 : i32 to vector<16xi32>
      %add3A_979 = arith.addi %xor3A_39, %add3A_978 : vector<16xi32>
      %select_n3A_980 = arith.select %lt3A_976, %add3A_979, %xor3A_39 : vector<16xi1>, vector<16xi32>
      %broadcast_in_dim3A_981 = vector.shape_cast %select_n3A_980 : vector<16xi32> to vector<16x1xi32>
      %gather3A_982 = vector.shape_cast %broadcast_in_dim3A_981 : vector<16x1xi32> to vector<16xi32>
      %gather3A_983 = tpu.dynamic_gather %min3A_973[%gather3A_982] in [0] : vector<16xf32>, vector<16xi32> -> vector<16xf32>
      %min3A_984 = arith.minimumf %min3A_973, %gather3A_983 : vector<16xf32>
      %lt3A_985 = arith.constant 0 : i32
      %lt3A_986 = vector.broadcast %lt3A_985 : i32 to vector<16xi32>
      %lt3A_987 = arith.cmpi slt, %xor3A_42, %lt3A_986 : vector<16xi32>
      %add3A_988 = arith.constant 16 : i32
      %add3A_989 = vector.broadcast %add3A_988 : i32 to vector<16xi32>
      %add3A_990 = arith.addi %xor3A_42, %add3A_989 : vector<16xi32>
      %select_n3A_991 = arith.select %lt3A_987, %add3A_990, %xor3A_42 : vector<16xi1>, vector<16xi32>
      %broadcast_in_dim3A_992 = vector.shape_cast %select_n3A_991 : vector<16xi32> to vector<16x1xi32>
      %gather3A_993 = vector.shape_cast %broadcast_in_dim3A_992 : vector<16x1xi32> to vector<16xi32>
      %gather3A_994 = tpu.dynamic_gather %min3A_984[%gather3A_993] in [0] : vector<16xf32>, vector<16xi32> -> vector<16xf32>
      %min3A_995 = arith.minimumf %min3A_984, %gather3A_994 : vector<16xf32>
      %add3A_996 = arith.addf %add3A_941, %min3A_995 : vector<16xf32>
      %bitcast3A_997 = vector.bitcast %scan3A_720#5 : vector<32xbf16> to vector<16xi32>
      %and3A_998 = arith.constant -65536 : i32
      %and3A_999 = vector.broadcast %and3A_998 : i32 to vector<16xi32>
      %and3A_1000 = arith.andi %bitcast3A_997, %and3A_999 : vector<16xi32>
      %bitcast3A_1001 = vector.bitcast %and3A_1000 : vector<16xi32> to vector<16xf32>
      %shift_left3A_1002 = arith.constant 16 : i32
      %shift_left3A_1003 = vector.broadcast %shift_left3A_1002 : i32 to vector<16xi32>
      %shift_left3A_1004 = arith.shli %bitcast3A_997, %shift_left3A_1003 : vector<16xi32>
      %bitcast3A_1005 = vector.bitcast %shift_left3A_1004 : vector<16xi32> to vector<16xf32>
      %min3A_1006 = arith.minimumf %bitcast3A_1005, %bitcast3A_1001 : vector<16xf32>
      %lt3A_1007 = arith.constant 0 : i32
      %lt3A_1008 = vector.broadcast %lt3A_1007 : i32 to vector<16xi32>
      %lt3A_1009 = arith.cmpi slt, %xor3A_33, %lt3A_1008 : vector<16xi32>
      %add3A_1010 = arith.constant 16 : i32
      %add3A_1011 = vector.broadcast %add3A_1010 : i32 to vector<16xi32>
      %add3A_1012 = arith.addi %xor3A_33, %add3A_1011 : vector<16xi32>
      %select_n3A_1013 = arith.select %lt3A_1009, %add3A_1012, %xor3A_33 : vector<16xi1>, vector<16xi32>
      %broadcast_in_dim3A_1014 = vector.shape_cast %select_n3A_1013 : vector<16xi32> to vector<16x1xi32>
      %gather3A_1015 = vector.shape_cast %broadcast_in_dim3A_1014 : vector<16x1xi32> to vector<16xi32>
      %gather3A_1016 = tpu.dynamic_gather %min3A_1006[%gather3A_1015] in [0] : vector<16xf32>, vector<16xi32> -> vector<16xf32>
      %min3A_1017 = arith.minimumf %min3A_1006, %gather3A_1016 : vector<16xf32>
      %lt3A_1018 = arith.constant 0 : i32
      %lt3A_1019 = vector.broadcast %lt3A_1018 : i32 to vector<16xi32>
      %lt3A_1020 = arith.cmpi slt, %xor3A_36, %lt3A_1019 : vector<16xi32>
      %add3A_1021 = arith.constant 16 : i32
      %add3A_1022 = vector.broadcast %add3A_1021 : i32 to vector<16xi32>
      %add3A_1023 = arith.addi %xor3A_36, %add3A_1022 : vector<16xi32>
      %select_n3A_1024 = arith.select %lt3A_1020, %add3A_1023, %xor3A_36 : vector<16xi1>, vector<16xi32>
      %broadcast_in_dim3A_1025 = vector.shape_cast %select_n3A_1024 : vector<16xi32> to vector<16x1xi32>
      %gather3A_1026 = vector.shape_cast %broadcast_in_dim3A_1025 : vector<16x1xi32> to vector<16xi32>
      %gather3A_1027 = tpu.dynamic_gather %min3A_1017[%gather3A_1026] in [0] : vector<16xf32>, vector<16xi32> -> vector<16xf32>
      %min3A_1028 = arith.minimumf %min3A_1017, %gather3A_1027 : vector<16xf32>
      %lt3A_1029 = arith.constant 0 : i32
      %lt3A_1030 = vector.broadcast %lt3A_1029 : i32 to vector<16xi32>
      %lt3A_1031 = arith.cmpi slt, %xor3A_39, %lt3A_1030 : vector<16xi32>
      %add3A_1032 = arith.constant 16 : i32
      %add3A_1033 = vector.broadcast %add3A_1032 : i32 to vector<16xi32>
      %add3A_1034 = arith.addi %xor3A_39, %add3A_1033 : vector<16xi32>
      %select_n3A_1035 = arith.select %lt3A_1031, %add3A_1034, %xor3A_39 : vector<16xi1>, vector<16xi32>
      %broadcast_in_dim3A_1036 = vector.shape_cast %select_n3A_1035 : vector<16xi32> to vector<16x1xi32>
      %gather3A_1037 = vector.shape_cast %broadcast_in_dim3A_1036 : vector<16x1xi32> to vector<16xi32>
      %gather3A_1038 = tpu.dynamic_gather %min3A_1028[%gather3A_1037] in [0] : vector<16xf32>, vector<16xi32> -> vector<16xf32>
      %min3A_1039 = arith.minimumf %min3A_1028, %gather3A_1038 : vector<16xf32>
      %lt3A_1040 = arith.constant 0 : i32
      %lt3A_1041 = vector.broadcast %lt3A_1040 : i32 to vector<16xi32>
      %lt3A_1042 = arith.cmpi slt, %xor3A_42, %lt3A_1041 : vector<16xi32>
      %add3A_1043 = arith.constant 16 : i32
      %add3A_1044 = vector.broadcast %add3A_1043 : i32 to vector<16xi32>
      %add3A_1045 = arith.addi %xor3A_42, %add3A_1044 : vector<16xi32>
      %select_n3A_1046 = arith.select %lt3A_1042, %add3A_1045, %xor3A_42 : vector<16xi1>, vector<16xi32>
      %broadcast_in_dim3A_1047 = vector.shape_cast %select_n3A_1046 : vector<16xi32> to vector<16x1xi32>
      %gather3A_1048 = vector.shape_cast %broadcast_in_dim3A_1047 : vector<16x1xi32> to vector<16xi32>
      %gather3A_1049 = tpu.dynamic_gather %min3A_1039[%gather3A_1048] in [0] : vector<16xf32>, vector<16xi32> -> vector<16xf32>
      %min3A_1050 = arith.minimumf %min3A_1039, %gather3A_1049 : vector<16xf32>
      %add3A_1051 = arith.addf %add3A_996, %min3A_1050 : vector<16xf32>
      %bitcast3A_1052 = vector.bitcast %scan3A_720#6 : vector<32xbf16> to vector<16xi32>
      %and3A_1053 = arith.constant -65536 : i32
      %and3A_1054 = vector.broadcast %and3A_1053 : i32 to vector<16xi32>
      %and3A_1055 = arith.andi %bitcast3A_1052, %and3A_1054 : vector<16xi32>
      %bitcast3A_1056 = vector.bitcast %and3A_1055 : vector<16xi32> to vector<16xf32>
      %shift_left3A_1057 = arith.constant 16 : i32
      %shift_left3A_1058 = vector.broadcast %shift_left3A_1057 : i32 to vector<16xi32>
      %shift_left3A_1059 = arith.shli %bitcast3A_1052, %shift_left3A_1058 : vector<16xi32>
      %bitcast3A_1060 = vector.bitcast %shift_left3A_1059 : vector<16xi32> to vector<16xf32>
      %min3A_1061 = arith.minimumf %bitcast3A_1060, %bitcast3A_1056 : vector<16xf32>
      %lt3A_1062 = arith.constant 0 : i32
      %lt3A_1063 = vector.broadcast %lt3A_1062 : i32 to vector<16xi32>
      %lt3A_1064 = arith.cmpi slt, %xor3A_33, %lt3A_1063 : vector<16xi32>
      %add3A_1065 = arith.constant 16 : i32
      %add3A_1066 = vector.broadcast %add3A_1065 : i32 to vector<16xi32>
      %add3A_1067 = arith.addi %xor3A_33, %add3A_1066 : vector<16xi32>
      %select_n3A_1068 = arith.select %lt3A_1064, %add3A_1067, %xor3A_33 : vector<16xi1>, vector<16xi32>
      %broadcast_in_dim3A_1069 = vector.shape_cast %select_n3A_1068 : vector<16xi32> to vector<16x1xi32>
      %gather3A_1070 = vector.shape_cast %broadcast_in_dim3A_1069 : vector<16x1xi32> to vector<16xi32>
      %gather3A_1071 = tpu.dynamic_gather %min3A_1061[%gather3A_1070] in [0] : vector<16xf32>, vector<16xi32> -> vector<16xf32>
      %min3A_1072 = arith.minimumf %min3A_1061, %gather3A_1071 : vector<16xf32>
      %lt3A_1073 = arith.constant 0 : i32
      %lt3A_1074 = vector.broadcast %lt3A_1073 : i32 to vector<16xi32>
      %lt3A_1075 = arith.cmpi slt, %xor3A_36, %lt3A_1074 : vector<16xi32>
      %add3A_1076 = arith.constant 16 : i32
      %add3A_1077 = vector.broadcast %add3A_1076 : i32 to vector<16xi32>
      %add3A_1078 = arith.addi %xor3A_36, %add3A_1077 : vector<16xi32>
      %select_n3A_1079 = arith.select %lt3A_1075, %add3A_1078, %xor3A_36 : vector<16xi1>, vector<16xi32>
      %broadcast_in_dim3A_1080 = vector.shape_cast %select_n3A_1079 : vector<16xi32> to vector<16x1xi32>
      %gather3A_1081 = vector.shape_cast %broadcast_in_dim3A_1080 : vector<16x1xi32> to vector<16xi32>
      %gather3A_1082 = tpu.dynamic_gather %min3A_1072[%gather3A_1081] in [0] : vector<16xf32>, vector<16xi32> -> vector<16xf32>
      %min3A_1083 = arith.minimumf %min3A_1072, %gather3A_1082 : vector<16xf32>
      %lt3A_1084 = arith.constant 0 : i32
      %lt3A_1085 = vector.broadcast %lt3A_1084 : i32 to vector<16xi32>
      %lt3A_1086 = arith.cmpi slt, %xor3A_39, %lt3A_1085 : vector<16xi32>
      %add3A_1087 = arith.constant 16 : i32
      %add3A_1088 = vector.broadcast %add3A_1087 : i32 to vector<16xi32>
      %add3A_1089 = arith.addi %xor3A_39, %add3A_1088 : vector<16xi32>
      %select_n3A_1090 = arith.select %lt3A_1086, %add3A_1089, %xor3A_39 : vector<16xi1>, vector<16xi32>
      %broadcast_in_dim3A_1091 = vector.shape_cast %select_n3A_1090 : vector<16xi32> to vector<16x1xi32>
      %gather3A_1092 = vector.shape_cast %broadcast_in_dim3A_1091 : vector<16x1xi32> to vector<16xi32>
      %gather3A_1093 = tpu.dynamic_gather %min3A_1083[%gather3A_1092] in [0] : vector<16xf32>, vector<16xi32> -> vector<16xf32>
      %min3A_1094 = arith.minimumf %min3A_1083, %gather3A_1093 : vector<16xf32>
      %lt3A_1095 = arith.constant 0 : i32
      %lt3A_1096 = vector.broadcast %lt3A_1095 : i32 to vector<16xi32>
      %lt3A_1097 = arith.cmpi slt, %xor3A_42, %lt3A_1096 : vector<16xi32>
      %add3A_1098 = arith.constant 16 : i32
      %add3A_1099 = vector.broadcast %add3A_1098 : i32 to vector<16xi32>
      %add3A_1100 = arith.addi %xor3A_42, %add3A_1099 : vector<16xi32>
      %select_n3A_1101 = arith.select %lt3A_1097, %add3A_1100, %xor3A_42 : vector<16xi1>, vector<16xi32>
      %broadcast_in_dim3A_1102 = vector.shape_cast %select_n3A_1101 : vector<16xi32> to vector<16x1xi32>
      %gather3A_1103 = vector.shape_cast %broadcast_in_dim3A_1102 : vector<16x1xi32> to vector<16xi32>
      %gather3A_1104 = tpu.dynamic_gather %min3A_1094[%gather3A_1103] in [0] : vector<16xf32>, vector<16xi32> -> vector<16xf32>
      %min3A_1105 = arith.minimumf %min3A_1094, %gather3A_1104 : vector<16xf32>
      %add3A_1106 = arith.addf %add3A_1051, %min3A_1105 : vector<16xf32>
      %bitcast3A_1107 = vector.bitcast %scan3A_720#7 : vector<32xbf16> to vector<16xi32>
      %and3A_1108 = arith.constant -65536 : i32
      %and3A_1109 = vector.broadcast %and3A_1108 : i32 to vector<16xi32>
      %and3A_1110 = arith.andi %bitcast3A_1107, %and3A_1109 : vector<16xi32>
      %bitcast3A_1111 = vector.bitcast %and3A_1110 : vector<16xi32> to vector<16xf32>
      %shift_left3A_1112 = arith.constant 16 : i32
      %shift_left3A_1113 = vector.broadcast %shift_left3A_1112 : i32 to vector<16xi32>
      %shift_left3A_1114 = arith.shli %bitcast3A_1107, %shift_left3A_1113 : vector<16xi32>
      %bitcast3A_1115 = vector.bitcast %shift_left3A_1114 : vector<16xi32> to vector<16xf32>
      %min3A_1116 = arith.minimumf %bitcast3A_1115, %bitcast3A_1111 : vector<16xf32>
      %lt3A_1117 = arith.constant 0 : i32
      %lt3A_1118 = vector.broadcast %lt3A_1117 : i32 to vector<16xi32>
      %lt3A_1119 = arith.cmpi slt, %xor3A_33, %lt3A_1118 : vector<16xi32>
      %add3A_1120 = arith.constant 16 : i32
      %add3A_1121 = vector.broadcast %add3A_1120 : i32 to vector<16xi32>
      %add3A_1122 = arith.addi %xor3A_33, %add3A_1121 : vector<16xi32>
      %select_n3A_1123 = arith.select %lt3A_1119, %add3A_1122, %xor3A_33 : vector<16xi1>, vector<16xi32>
      %broadcast_in_dim3A_1124 = vector.shape_cast %select_n3A_1123 : vector<16xi32> to vector<16x1xi32>
      %gather3A_1125 = vector.shape_cast %broadcast_in_dim3A_1124 : vector<16x1xi32> to vector<16xi32>
      %gather3A_1126 = tpu.dynamic_gather %min3A_1116[%gather3A_1125] in [0] : vector<16xf32>, vector<16xi32> -> vector<16xf32>
      %min3A_1127 = arith.minimumf %min3A_1116, %gather3A_1126 : vector<16xf32>
      %lt3A_1128 = arith.constant 0 : i32
      %lt3A_1129 = vector.broadcast %lt3A_1128 : i32 to vector<16xi32>
      %lt3A_1130 = arith.cmpi slt, %xor3A_36, %lt3A_1129 : vector<16xi32>
      %add3A_1131 = arith.constant 16 : i32
      %add3A_1132 = vector.broadcast %add3A_1131 : i32 to vector<16xi32>
      %add3A_1133 = arith.addi %xor3A_36, %add3A_1132 : vector<16xi32>
      %select_n3A_1134 = arith.select %lt3A_1130, %add3A_1133, %xor3A_36 : vector<16xi1>, vector<16xi32>
      %broadcast_in_dim3A_1135 = vector.shape_cast %select_n3A_1134 : vector<16xi32> to vector<16x1xi32>
      %gather3A_1136 = vector.shape_cast %broadcast_in_dim3A_1135 : vector<16x1xi32> to vector<16xi32>
      %gather3A_1137 = tpu.dynamic_gather %min3A_1127[%gather3A_1136] in [0] : vector<16xf32>, vector<16xi32> -> vector<16xf32>
      %min3A_1138 = arith.minimumf %min3A_1127, %gather3A_1137 : vector<16xf32>
      %lt3A_1139 = arith.constant 0 : i32
      %lt3A_1140 = vector.broadcast %lt3A_1139 : i32 to vector<16xi32>
      %lt3A_1141 = arith.cmpi slt, %xor3A_39, %lt3A_1140 : vector<16xi32>
      %add3A_1142 = arith.constant 16 : i32
      %add3A_1143 = vector.broadcast %add3A_1142 : i32 to vector<16xi32>
      %add3A_1144 = arith.addi %xor3A_39, %add3A_1143 : vector<16xi32>
      %select_n3A_1145 = arith.select %lt3A_1141, %add3A_1144, %xor3A_39 : vector<16xi1>, vector<16xi32>
      %broadcast_in_dim3A_1146 = vector.shape_cast %select_n3A_1145 : vector<16xi32> to vector<16x1xi32>
      %gather3A_1147 = vector.shape_cast %broadcast_in_dim3A_1146 : vector<16x1xi32> to vector<16xi32>
      %gather3A_1148 = tpu.dynamic_gather %min3A_1138[%gather3A_1147] in [0] : vector<16xf32>, vector<16xi32> -> vector<16xf32>
      %min3A_1149 = arith.minimumf %min3A_1138, %gather3A_1148 : vector<16xf32>
      %lt3A_1150 = arith.constant 0 : i32
      %lt3A_1151 = vector.broadcast %lt3A_1150 : i32 to vector<16xi32>
      %lt3A_1152 = arith.cmpi slt, %xor3A_42, %lt3A_1151 : vector<16xi32>
      %add3A_1153 = arith.constant 16 : i32
      %add3A_1154 = vector.broadcast %add3A_1153 : i32 to vector<16xi32>
      %add3A_1155 = arith.addi %xor3A_42, %add3A_1154 : vector<16xi32>
      %select_n3A_1156 = arith.select %lt3A_1152, %add3A_1155, %xor3A_42 : vector<16xi1>, vector<16xi32>
      %broadcast_in_dim3A_1157 = vector.shape_cast %select_n3A_1156 : vector<16xi32> to vector<16x1xi32>
      %gather3A_1158 = vector.shape_cast %broadcast_in_dim3A_1157 : vector<16x1xi32> to vector<16xi32>
      %gather3A_1159 = tpu.dynamic_gather %min3A_1149[%gather3A_1158] in [0] : vector<16xf32>, vector<16xi32> -> vector<16xf32>
      %min3A_1160 = arith.minimumf %min3A_1149, %gather3A_1159 : vector<16xf32>
      %add3A_1161 = arith.addf %add3A_1106, %min3A_1160 : vector<16xf32>
      scf.yield %add3A_1161 : vector<16xf32>
    }
    %scan3A_57 = arith.constant 16 : i32
    %mul3A_58 = arith.constant 2048 : i32
    %mul3A_59 = arith.muli %arg1, %mul3A_58 : i32
    "tpu.region"() ({
      %run_scoped3A = tpu.sem_alloc : memref<!tpu.dma_semaphore, #tpu.memory_space<semaphore_mem>>
      %dma_start3A = tpu.memref_slice %arg10[%mul3A_59] : memref<32768xbf16, #tpu.memory_space<vmem_shared>> -> memref<2048xbf16, #tpu.memory_space<vmem_shared>>
      %dma_start3A_68 = tpu.memref_slice %arg10[%mul3A_59] : memref<32768xbf16, #tpu.memory_space<vmem_shared>> -> memref<2048xbf16, #tpu.memory_space<vmem_shared>>
      tpu.enqueue_dma source(%arg7 : memref<2048xbf16, #tpu.memory_space<vmem>>) target(%dma_start3A_68 : memref<2048xbf16, #tpu.memory_space<vmem_shared>>) target_semaphore(%run_scoped3A : memref<!tpu.dma_semaphore, #tpu.memory_space<semaphore_mem>>)
      %dma_wait3A = tpu.memref_slice %arg10[%mul3A_59] : memref<32768xbf16, #tpu.memory_space<vmem_shared>> -> memref<2048xbf16, #tpu.memory_space<vmem_shared>>
      %dma_wait3A_69 = tpu.memref_slice %arg10[%mul3A_59] : memref<32768xbf16, #tpu.memory_space<vmem_shared>> -> memref<2048xbf16, #tpu.memory_space<vmem_shared>>
      tpu.wait_dma2 semaphore(%run_scoped3A : memref<!tpu.dma_semaphore, #tpu.memory_space<semaphore_mem>>) src(%arg7 : memref<2048xbf16, #tpu.memory_space<vmem>>) dst(%dma_wait3A_69 : memref<2048xbf16, #tpu.memory_space<vmem_shared>>)
      tpu.yield
    }) : () -> ()
    %barrier3A = arith.constant 0 : index
    tpu.barrier barrier_id(%barrier3A)
    %eq3A_60 = arith.constant 0 : i32
    %eq3A_61 = arith.cmpi eq, %select_n3A_30, %eq3A_60 : i32
    %convert_element_type3A = arith.extui %eq3A_61 : i1 to i32
    %cond3A = arith.constant 0 : i32
    %cond3A_62 = arith.cmpi ne, %convert_element_type3A, %cond3A : i32
    scf.if %cond3A_62 {
      %add3A_68 = arith.constant 1 : i32
      %add3A_69 = arith.addi %arg1, %add3A_68 : i32
      %add3A_70 = arith.constant 0 : i32
      %add3A_71 = arith.addi %add3A_69, %add3A_70 : i32
      %mul3A_72 = arith.constant 2048 : i32
      %mul3A_73 = arith.muli %add3A_71, %mul3A_72 : i32
      "tpu.region"() ({
        %run_scoped3A = tpu.sem_alloc : memref<!tpu.dma_semaphore, #tpu.memory_space<semaphore_mem>>
        %dma_start3A = arith.constant 0 : i32
        %dma_start3A_163 = tpu.memref_slice %arg8[%dma_start3A] : memref<14336xbf16, #tpu.memory_space<vmem>> -> memref<2048xbf16, #tpu.memory_space<vmem>>
        %dma_start3A_164 = tpu.memref_slice %arg10[%mul3A_73] : memref<32768xbf16, #tpu.memory_space<vmem_shared>> -> memref<2048xbf16, #tpu.memory_space<vmem_shared>>
        %dma_start3A_165 = arith.constant 0 : i32
        %dma_start3A_166 = tpu.memref_slice %arg8[%dma_start3A_165] : memref<14336xbf16, #tpu.memory_space<vmem>> -> memref<2048xbf16, #tpu.memory_space<vmem>>
        %dma_start3A_167 = tpu.memref_slice %arg10[%mul3A_73] : memref<32768xbf16, #tpu.memory_space<vmem_shared>> -> memref<2048xbf16, #tpu.memory_space<vmem_shared>>
        tpu.enqueue_dma source(%dma_start3A_167 : memref<2048xbf16, #tpu.memory_space<vmem_shared>>) target(%dma_start3A_166 : memref<2048xbf16, #tpu.memory_space<vmem>>) target_semaphore(%run_scoped3A : memref<!tpu.dma_semaphore, #tpu.memory_space<semaphore_mem>>)
        %dma_wait3A = arith.constant 0 : i32
        %dma_wait3A_168 = tpu.memref_slice %arg8[%dma_wait3A] : memref<14336xbf16, #tpu.memory_space<vmem>> -> memref<2048xbf16, #tpu.memory_space<vmem>>
        %dma_wait3A_169 = tpu.memref_slice %arg10[%mul3A_73] : memref<32768xbf16, #tpu.memory_space<vmem_shared>> -> memref<2048xbf16, #tpu.memory_space<vmem_shared>>
        %dma_wait3A_170 = arith.constant 0 : i32
        %dma_wait3A_171 = tpu.memref_slice %arg8[%dma_wait3A_170] : memref<14336xbf16, #tpu.memory_space<vmem>> -> memref<2048xbf16, #tpu.memory_space<vmem>>
        %dma_wait3A_172 = tpu.memref_slice %arg10[%mul3A_73] : memref<32768xbf16, #tpu.memory_space<vmem_shared>> -> memref<2048xbf16, #tpu.memory_space<vmem_shared>>
        tpu.wait_dma2 semaphore(%run_scoped3A : memref<!tpu.dma_semaphore, #tpu.memory_space<semaphore_mem>>) src(%dma_wait3A_172 : memref<2048xbf16, #tpu.memory_space<vmem_shared>>) dst(%dma_wait3A_171 : memref<2048xbf16, #tpu.memory_space<vmem>>)
        tpu.yield
      }) : () -> ()
      %add3A_74 = arith.constant 1 : i32
      %add3A_75 = arith.addi %arg1, %add3A_74 : i32
      %add3A_76 = arith.constant 1 : i32
      %add3A_77 = arith.addi %add3A_75, %add3A_76 : i32
      %mul3A_78 = arith.constant 2048 : i32
      %mul3A_79 = arith.muli %add3A_77, %mul3A_78 : i32
      "tpu.region"() ({
        %run_scoped3A = tpu.sem_alloc : memref<!tpu.dma_semaphore, #tpu.memory_space<semaphore_mem>>
        %dma_start3A = arith.constant 2048 : i32
        %dma_start3A_163 = tpu.memref_slice %arg8[%dma_start3A] : memref<14336xbf16, #tpu.memory_space<vmem>> -> memref<2048xbf16, #tpu.memory_space<vmem>>
        %dma_start3A_164 = tpu.memref_slice %arg10[%mul3A_79] : memref<32768xbf16, #tpu.memory_space<vmem_shared>> -> memref<2048xbf16, #tpu.memory_space<vmem_shared>>
        %dma_start3A_165 = arith.constant 2048 : i32
        %dma_start3A_166 = tpu.memref_slice %arg8[%dma_start3A_165] : memref<14336xbf16, #tpu.memory_space<vmem>> -> memref<2048xbf16, #tpu.memory_space<vmem>>
        %dma_start3A_167 = tpu.memref_slice %arg10[%mul3A_79] : memref<32768xbf16, #tpu.memory_space<vmem_shared>> -> memref<2048xbf16, #tpu.memory_space<vmem_shared>>
        tpu.enqueue_dma source(%dma_start3A_167 : memref<2048xbf16, #tpu.memory_space<vmem_shared>>) target(%dma_start3A_166 : memref<2048xbf16, #tpu.memory_space<vmem>>) target_semaphore(%run_scoped3A : memref<!tpu.dma_semaphore, #tpu.memory_space<semaphore_mem>>)
        %dma_wait3A = arith.constant 2048 : i32
        %dma_wait3A_168 = tpu.memref_slice %arg8[%dma_wait3A] : memref<14336xbf16, #tpu.memory_space<vmem>> -> memref<2048xbf16, #tpu.memory_space<vmem>>
        %dma_wait3A_169 = tpu.memref_slice %arg10[%mul3A_79] : memref<32768xbf16, #tpu.memory_space<vmem_shared>> -> memref<2048xbf16, #tpu.memory_space<vmem_shared>>
        %dma_wait3A_170 = arith.constant 2048 : i32
        %dma_wait3A_171 = tpu.memref_slice %arg8[%dma_wait3A_170] : memref<14336xbf16, #tpu.memory_space<vmem>> -> memref<2048xbf16, #tpu.memory_space<vmem>>
        %dma_wait3A_172 = tpu.memref_slice %arg10[%mul3A_79] : memref<32768xbf16, #tpu.memory_space<vmem_shared>> -> memref<2048xbf16, #tpu.memory_space<vmem_shared>>
        tpu.wait_dma2 semaphore(%run_scoped3A : memref<!tpu.dma_semaphore, #tpu.memory_space<semaphore_mem>>) src(%dma_wait3A_172 : memref<2048xbf16, #tpu.memory_space<vmem_shared>>) dst(%dma_wait3A_171 : memref<2048xbf16, #tpu.memory_space<vmem>>)
        tpu.yield
      }) : () -> ()
      %add3A_80 = arith.constant 1 : i32
      %add3A_81 = arith.addi %arg1, %add3A_80 : i32
      %add3A_82 = arith.constant 2 : i32
      %add3A_83 = arith.addi %add3A_81, %add3A_82 : i32
      %mul3A_84 = arith.constant 2048 : i32
      %mul3A_85 = arith.muli %add3A_83, %mul3A_84 : i32
      "tpu.region"() ({
        %run_scoped3A = tpu.sem_alloc : memref<!tpu.dma_semaphore, #tpu.memory_space<semaphore_mem>>
        %dma_start3A = arith.constant 4096 : i32
        %dma_start3A_163 = tpu.memref_slice %arg8[%dma_start3A] : memref<14336xbf16, #tpu.memory_space<vmem>> -> memref<2048xbf16, #tpu.memory_space<vmem>>
        %dma_start3A_164 = tpu.memref_slice %arg10[%mul3A_85] : memref<32768xbf16, #tpu.memory_space<vmem_shared>> -> memref<2048xbf16, #tpu.memory_space<vmem_shared>>
        %dma_start3A_165 = arith.constant 4096 : i32
        %dma_start3A_166 = tpu.memref_slice %arg8[%dma_start3A_165] : memref<14336xbf16, #tpu.memory_space<vmem>> -> memref<2048xbf16, #tpu.memory_space<vmem>>
        %dma_start3A_167 = tpu.memref_slice %arg10[%mul3A_85] : memref<32768xbf16, #tpu.memory_space<vmem_shared>> -> memref<2048xbf16, #tpu.memory_space<vmem_shared>>
        tpu.enqueue_dma source(%dma_start3A_167 : memref<2048xbf16, #tpu.memory_space<vmem_shared>>) target(%dma_start3A_166 : memref<2048xbf16, #tpu.memory_space<vmem>>) target_semaphore(%run_scoped3A : memref<!tpu.dma_semaphore, #tpu.memory_space<semaphore_mem>>)
        %dma_wait3A = arith.constant 4096 : i32
        %dma_wait3A_168 = tpu.memref_slice %arg8[%dma_wait3A] : memref<14336xbf16, #tpu.memory_space<vmem>> -> memref<2048xbf16, #tpu.memory_space<vmem>>
        %dma_wait3A_169 = tpu.memref_slice %arg10[%mul3A_85] : memref<32768xbf16, #tpu.memory_space<vmem_shared>> -> memref<2048xbf16, #tpu.memory_space<vmem_shared>>
        %dma_wait3A_170 = arith.constant 4096 : i32
        %dma_wait3A_171 = tpu.memref_slice %arg8[%dma_wait3A_170] : memref<14336xbf16, #tpu.memory_space<vmem>> -> memref<2048xbf16, #tpu.memory_space<vmem>>
        %dma_wait3A_172 = tpu.memref_slice %arg10[%mul3A_85] : memref<32768xbf16, #tpu.memory_space<vmem_shared>> -> memref<2048xbf16, #tpu.memory_space<vmem_shared>>
        tpu.wait_dma2 semaphore(%run_scoped3A : memref<!tpu.dma_semaphore, #tpu.memory_space<semaphore_mem>>) src(%dma_wait3A_172 : memref<2048xbf16, #tpu.memory_space<vmem_shared>>) dst(%dma_wait3A_171 : memref<2048xbf16, #tpu.memory_space<vmem>>)
        tpu.yield
      }) : () -> ()
      %add3A_86 = arith.constant 1 : i32
      %add3A_87 = arith.addi %arg1, %add3A_86 : i32
      %add3A_88 = arith.constant 3 : i32
      %add3A_89 = arith.addi %add3A_87, %add3A_88 : i32
      %mul3A_90 = arith.constant 2048 : i32
      %mul3A_91 = arith.muli %add3A_89, %mul3A_90 : i32
      "tpu.region"() ({
        %run_scoped3A = tpu.sem_alloc : memref<!tpu.dma_semaphore, #tpu.memory_space<semaphore_mem>>
        %dma_start3A = arith.constant 6144 : i32
        %dma_start3A_163 = tpu.memref_slice %arg8[%dma_start3A] : memref<14336xbf16, #tpu.memory_space<vmem>> -> memref<2048xbf16, #tpu.memory_space<vmem>>
        %dma_start3A_164 = tpu.memref_slice %arg10[%mul3A_91] : memref<32768xbf16, #tpu.memory_space<vmem_shared>> -> memref<2048xbf16, #tpu.memory_space<vmem_shared>>
        %dma_start3A_165 = arith.constant 6144 : i32
        %dma_start3A_166 = tpu.memref_slice %arg8[%dma_start3A_165] : memref<14336xbf16, #tpu.memory_space<vmem>> -> memref<2048xbf16, #tpu.memory_space<vmem>>
        %dma_start3A_167 = tpu.memref_slice %arg10[%mul3A_91] : memref<32768xbf16, #tpu.memory_space<vmem_shared>> -> memref<2048xbf16, #tpu.memory_space<vmem_shared>>
        tpu.enqueue_dma source(%dma_start3A_167 : memref<2048xbf16, #tpu.memory_space<vmem_shared>>) target(%dma_start3A_166 : memref<2048xbf16, #tpu.memory_space<vmem>>) target_semaphore(%run_scoped3A : memref<!tpu.dma_semaphore, #tpu.memory_space<semaphore_mem>>)
        %dma_wait3A = arith.constant 6144 : i32
        %dma_wait3A_168 = tpu.memref_slice %arg8[%dma_wait3A] : memref<14336xbf16, #tpu.memory_space<vmem>> -> memref<2048xbf16, #tpu.memory_space<vmem>>
        %dma_wait3A_169 = tpu.memref_slice %arg10[%mul3A_91] : memref<32768xbf16, #tpu.memory_space<vmem_shared>> -> memref<2048xbf16, #tpu.memory_space<vmem_shared>>
        %dma_wait3A_170 = arith.constant 6144 : i32
        %dma_wait3A_171 = tpu.memref_slice %arg8[%dma_wait3A_170] : memref<14336xbf16, #tpu.memory_space<vmem>> -> memref<2048xbf16, #tpu.memory_space<vmem>>
        %dma_wait3A_172 = tpu.memref_slice %arg10[%mul3A_91] : memref<32768xbf16, #tpu.memory_space<vmem_shared>> -> memref<2048xbf16, #tpu.memory_space<vmem_shared>>
        tpu.wait_dma2 semaphore(%run_scoped3A : memref<!tpu.dma_semaphore, #tpu.memory_space<semaphore_mem>>) src(%dma_wait3A_172 : memref<2048xbf16, #tpu.memory_space<vmem_shared>>) dst(%dma_wait3A_171 : memref<2048xbf16, #tpu.memory_space<vmem>>)
        tpu.yield
      }) : () -> ()
      %add3A_92 = arith.constant 1 : i32
      %add3A_93 = arith.addi %arg1, %add3A_92 : i32
      %add3A_94 = arith.constant 4 : i32
      %add3A_95 = arith.addi %add3A_93, %add3A_94 : i32
      %mul3A_96 = arith.constant 2048 : i32
      %mul3A_97 = arith.muli %add3A_95, %mul3A_96 : i32
      "tpu.region"() ({
        %run_scoped3A = tpu.sem_alloc : memref<!tpu.dma_semaphore, #tpu.memory_space<semaphore_mem>>
        %dma_start3A = arith.constant 8192 : i32
        %dma_start3A_163 = tpu.memref_slice %arg8[%dma_start3A] : memref<14336xbf16, #tpu.memory_space<vmem>> -> memref<2048xbf16, #tpu.memory_space<vmem>>
        %dma_start3A_164 = tpu.memref_slice %arg10[%mul3A_97] : memref<32768xbf16, #tpu.memory_space<vmem_shared>> -> memref<2048xbf16, #tpu.memory_space<vmem_shared>>
        %dma_start3A_165 = arith.constant 8192 : i32
        %dma_start3A_166 = tpu.memref_slice %arg8[%dma_start3A_165] : memref<14336xbf16, #tpu.memory_space<vmem>> -> memref<2048xbf16, #tpu.memory_space<vmem>>
        %dma_start3A_167 = tpu.memref_slice %arg10[%mul3A_97] : memref<32768xbf16, #tpu.memory_space<vmem_shared>> -> memref<2048xbf16, #tpu.memory_space<vmem_shared>>
        tpu.enqueue_dma source(%dma_start3A_167 : memref<2048xbf16, #tpu.memory_space<vmem_shared>>) target(%dma_start3A_166 : memref<2048xbf16, #tpu.memory_space<vmem>>) target_semaphore(%run_scoped3A : memref<!tpu.dma_semaphore, #tpu.memory_space<semaphore_mem>>)
        %dma_wait3A = arith.constant 8192 : i32
        %dma_wait3A_168 = tpu.memref_slice %arg8[%dma_wait3A] : memref<14336xbf16, #tpu.memory_space<vmem>> -> memref<2048xbf16, #tpu.memory_space<vmem>>
        %dma_wait3A_169 = tpu.memref_slice %arg10[%mul3A_97] : memref<32768xbf16, #tpu.memory_space<vmem_shared>> -> memref<2048xbf16, #tpu.memory_space<vmem_shared>>
        %dma_wait3A_170 = arith.constant 8192 : i32
        %dma_wait3A_171 = tpu.memref_slice %arg8[%dma_wait3A_170] : memref<14336xbf16, #tpu.memory_space<vmem>> -> memref<2048xbf16, #tpu.memory_space<vmem>>
        %dma_wait3A_172 = tpu.memref_slice %arg10[%mul3A_97] : memref<32768xbf16, #tpu.memory_space<vmem_shared>> -> memref<2048xbf16, #tpu.memory_space<vmem_shared>>
        tpu.wait_dma2 semaphore(%run_scoped3A : memref<!tpu.dma_semaphore, #tpu.memory_space<semaphore_mem>>) src(%dma_wait3A_172 : memref<2048xbf16, #tpu.memory_space<vmem_shared>>) dst(%dma_wait3A_171 : memref<2048xbf16, #tpu.memory_space<vmem>>)
        tpu.yield
      }) : () -> ()
      %add3A_98 = arith.constant 1 : i32
      %add3A_99 = arith.addi %arg1, %add3A_98 : i32
      %add3A_100 = arith.constant 5 : i32
      %add3A_101 = arith.addi %add3A_99, %add3A_100 : i32
      %mul3A_102 = arith.constant 2048 : i32
      %mul3A_103 = arith.muli %add3A_101, %mul3A_102 : i32
      "tpu.region"() ({
        %run_scoped3A = tpu.sem_alloc : memref<!tpu.dma_semaphore, #tpu.memory_space<semaphore_mem>>
        %dma_start3A = arith.constant 10240 : i32
        %dma_start3A_163 = tpu.memref_slice %arg8[%dma_start3A] : memref<14336xbf16, #tpu.memory_space<vmem>> -> memref<2048xbf16, #tpu.memory_space<vmem>>
        %dma_start3A_164 = tpu.memref_slice %arg10[%mul3A_103] : memref<32768xbf16, #tpu.memory_space<vmem_shared>> -> memref<2048xbf16, #tpu.memory_space<vmem_shared>>
        %dma_start3A_165 = arith.constant 10240 : i32
        %dma_start3A_166 = tpu.memref_slice %arg8[%dma_start3A_165] : memref<14336xbf16, #tpu.memory_space<vmem>> -> memref<2048xbf16, #tpu.memory_space<vmem>>
        %dma_start3A_167 = tpu.memref_slice %arg10[%mul3A_103] : memref<32768xbf16, #tpu.memory_space<vmem_shared>> -> memref<2048xbf16, #tpu.memory_space<vmem_shared>>
        tpu.enqueue_dma source(%dma_start3A_167 : memref<2048xbf16, #tpu.memory_space<vmem_shared>>) target(%dma_start3A_166 : memref<2048xbf16, #tpu.memory_space<vmem>>) target_semaphore(%run_scoped3A : memref<!tpu.dma_semaphore, #tpu.memory_space<semaphore_mem>>)
        %dma_wait3A = arith.constant 10240 : i32
        %dma_wait3A_168 = tpu.memref_slice %arg8[%dma_wait3A] : memref<14336xbf16, #tpu.memory_space<vmem>> -> memref<2048xbf16, #tpu.memory_space<vmem>>
        %dma_wait3A_169 = tpu.memref_slice %arg10[%mul3A_103] : memref<32768xbf16, #tpu.memory_space<vmem_shared>> -> memref<2048xbf16, #tpu.memory_space<vmem_shared>>
        %dma_wait3A_170 = arith.constant 10240 : i32
        %dma_wait3A_171 = tpu.memref_slice %arg8[%dma_wait3A_170] : memref<14336xbf16, #tpu.memory_space<vmem>> -> memref<2048xbf16, #tpu.memory_space<vmem>>
        %dma_wait3A_172 = tpu.memref_slice %arg10[%mul3A_103] : memref<32768xbf16, #tpu.memory_space<vmem_shared>> -> memref<2048xbf16, #tpu.memory_space<vmem_shared>>
        tpu.wait_dma2 semaphore(%run_scoped3A : memref<!tpu.dma_semaphore, #tpu.memory_space<semaphore_mem>>) src(%dma_wait3A_172 : memref<2048xbf16, #tpu.memory_space<vmem_shared>>) dst(%dma_wait3A_171 : memref<2048xbf16, #tpu.memory_space<vmem>>)
        tpu.yield
      }) : () -> ()
      %add3A_104 = arith.constant 1 : i32
      %add3A_105 = arith.addi %arg1, %add3A_104 : i32
      %add3A_106 = arith.constant 6 : i32
      %add3A_107 = arith.addi %add3A_105, %add3A_106 : i32
      %mul3A_108 = arith.constant 2048 : i32
      %mul3A_109 = arith.muli %add3A_107, %mul3A_108 : i32
      "tpu.region"() ({
        %run_scoped3A = tpu.sem_alloc : memref<!tpu.dma_semaphore, #tpu.memory_space<semaphore_mem>>
        %dma_start3A = arith.constant 12288 : i32
        %dma_start3A_163 = tpu.memref_slice %arg8[%dma_start3A] : memref<14336xbf16, #tpu.memory_space<vmem>> -> memref<2048xbf16, #tpu.memory_space<vmem>>
        %dma_start3A_164 = tpu.memref_slice %arg10[%mul3A_109] : memref<32768xbf16, #tpu.memory_space<vmem_shared>> -> memref<2048xbf16, #tpu.memory_space<vmem_shared>>
        %dma_start3A_165 = arith.constant 12288 : i32
        %dma_start3A_166 = tpu.memref_slice %arg8[%dma_start3A_165] : memref<14336xbf16, #tpu.memory_space<vmem>> -> memref<2048xbf16, #tpu.memory_space<vmem>>
        %dma_start3A_167 = tpu.memref_slice %arg10[%mul3A_109] : memref<32768xbf16, #tpu.memory_space<vmem_shared>> -> memref<2048xbf16, #tpu.memory_space<vmem_shared>>
        tpu.enqueue_dma source(%dma_start3A_167 : memref<2048xbf16, #tpu.memory_space<vmem_shared>>) target(%dma_start3A_166 : memref<2048xbf16, #tpu.memory_space<vmem>>) target_semaphore(%run_scoped3A : memref<!tpu.dma_semaphore, #tpu.memory_space<semaphore_mem>>)
        %dma_wait3A = arith.constant 12288 : i32
        %dma_wait3A_168 = tpu.memref_slice %arg8[%dma_wait3A] : memref<14336xbf16, #tpu.memory_space<vmem>> -> memref<2048xbf16, #tpu.memory_space<vmem>>
        %dma_wait3A_169 = tpu.memref_slice %arg10[%mul3A_109] : memref<32768xbf16, #tpu.memory_space<vmem_shared>> -> memref<2048xbf16, #tpu.memory_space<vmem_shared>>
        %dma_wait3A_170 = arith.constant 12288 : i32
        %dma_wait3A_171 = tpu.memref_slice %arg8[%dma_wait3A_170] : memref<14336xbf16, #tpu.memory_space<vmem>> -> memref<2048xbf16, #tpu.memory_space<vmem>>
        %dma_wait3A_172 = tpu.memref_slice %arg10[%mul3A_109] : memref<32768xbf16, #tpu.memory_space<vmem_shared>> -> memref<2048xbf16, #tpu.memory_space<vmem_shared>>
        tpu.wait_dma2 semaphore(%run_scoped3A : memref<!tpu.dma_semaphore, #tpu.memory_space<semaphore_mem>>) src(%dma_wait3A_172 : memref<2048xbf16, #tpu.memory_space<vmem_shared>>) dst(%dma_wait3A_171 : memref<2048xbf16, #tpu.memory_space<vmem>>)
        tpu.yield
      }) : () -> ()
      %broadcast_in_dim3A_110 = arith.constant 0.000000e+00 : f32
      %broadcast_in_dim3A_111 = vector.broadcast %broadcast_in_dim3A_110 : f32 to vector<16xf32>
      %scan3A_112 = arith.constant 0 : i32
      %scan3A_113 = arith.constant 64 : i32
      %scan3A_114 = arith.addi %scan3A_112, %scan3A_113 : i32
      %scan3A_115 = arith.constant 1 : i32
      %scan3A_116 = scf.for %scan3A_163 = %scan3A_112 to %scan3A_114 step %scan3A_115 iter_args(%scan3A_164 = %broadcast_in_dim3A_111) -> (vector<16xf32>)  : i32 {
        %mul3A_165 = arith.constant 32 : i32
        %mul3A_166 = arith.muli %scan3A_163, %mul3A_165 : i32
        %get3A = arith.index_cast %mul3A_166 : i32 to index
        %get3A_167 = tpu.vector_load %arg7[%get3A] {strides = array<i32>} : memref<2048xbf16, #tpu.memory_space<vmem>>, vector<32xbf16>,
        %add3A_168 = arith.constant 0 : i32
        %add3A_169 = arith.addi %add3A_168, %mul3A_166 : i32
        %get3A_170 = arith.index_cast %add3A_169 : i32 to index
        %get3A_171 = tpu.vector_load %arg8[%get3A_170] {strides = array<i32>} : memref<14336xbf16, #tpu.memory_space<vmem>>, vector<32xbf16>,
        %min3A = arith.minimumf %get3A_167, %get3A_171 : vector<32xbf16>
        %add3A_172 = arith.constant 2048 : i32
        %add3A_173 = arith.addi %add3A_172, %mul3A_166 : i32
        %get3A_174 = arith.index_cast %add3A_173 : i32 to index
        %get3A_175 = tpu.vector_load %arg8[%get3A_174] {strides = array<i32>} : memref<14336xbf16, #tpu.memory_space<vmem>>, vector<32xbf16>,
        %min3A_176 = arith.minimumf %min3A, %get3A_175 : vector<32xbf16>
        %add3A_177 = arith.constant 4096 : i32
        %add3A_178 = arith.addi %add3A_177, %mul3A_166 : i32
        %get3A_179 = arith.index_cast %add3A_178 : i32 to index
        %get3A_180 = tpu.vector_load %arg8[%get3A_179] {strides = array<i32>} : memref<14336xbf16, #tpu.memory_space<vmem>>, vector<32xbf16>,
        %min3A_181 = arith.minimumf %min3A_176, %get3A_180 : vector<32xbf16>
        %add3A_182 = arith.constant 6144 : i32
        %add3A_183 = arith.addi %add3A_182, %mul3A_166 : i32
        %get3A_184 = arith.index_cast %add3A_183 : i32 to index
        %get3A_185 = tpu.vector_load %arg8[%get3A_184] {strides = array<i32>} : memref<14336xbf16, #tpu.memory_space<vmem>>, vector<32xbf16>,
        %min3A_186 = arith.minimumf %min3A_181, %get3A_185 : vector<32xbf16>
        %add3A_187 = arith.constant 8192 : i32
        %add3A_188 = arith.addi %add3A_187, %mul3A_166 : i32
        %get3A_189 = arith.index_cast %add3A_188 : i32 to index
        %get3A_190 = tpu.vector_load %arg8[%get3A_189] {strides = array<i32>} : memref<14336xbf16, #tpu.memory_space<vmem>>, vector<32xbf16>,
        %min3A_191 = arith.minimumf %min3A_186, %get3A_190 : vector<32xbf16>
        %add3A_192 = arith.constant 10240 : i32
        %add3A_193 = arith.addi %add3A_192, %mul3A_166 : i32
        %get3A_194 = arith.index_cast %add3A_193 : i32 to index
        %get3A_195 = tpu.vector_load %arg8[%get3A_194] {strides = array<i32>} : memref<14336xbf16, #tpu.memory_space<vmem>>, vector<32xbf16>,
        %min3A_196 = arith.minimumf %min3A_191, %get3A_195 : vector<32xbf16>
        %add3A_197 = arith.constant 12288 : i32
        %add3A_198 = arith.addi %add3A_197, %mul3A_166 : i32
        %get3A_199 = arith.index_cast %add3A_198 : i32 to index
        %get3A_200 = tpu.vector_load %arg8[%get3A_199] {strides = array<i32>} : memref<14336xbf16, #tpu.memory_space<vmem>>, vector<32xbf16>,
        %min3A_201 = arith.minimumf %min3A_196, %get3A_200 : vector<32xbf16>
        %bitcast3A = vector.bitcast %min3A_201 : vector<32xbf16> to vector<16xi32>
        %and3A_202 = arith.constant -65536 : i32
        %and3A_203 = vector.broadcast %and3A_202 : i32 to vector<16xi32>
        %and3A_204 = arith.andi %bitcast3A, %and3A_203 : vector<16xi32>
        %bitcast3A_205 = vector.bitcast %and3A_204 : vector<16xi32> to vector<16xf32>
        %shift_left3A = arith.constant 16 : i32
        %shift_left3A_206 = vector.broadcast %shift_left3A : i32 to vector<16xi32>
        %shift_left3A_207 = arith.shli %bitcast3A, %shift_left3A_206 : vector<16xi32>
        %bitcast3A_208 = vector.bitcast %shift_left3A_207 : vector<16xi32> to vector<16xf32>
        %add3A_209 = arith.addf %bitcast3A_208, %bitcast3A_205 : vector<16xf32>
        %add3A_210 = arith.addf %scan3A_164, %add3A_209 : vector<16xf32>
        scf.yield %add3A_210 : vector<16xf32>
      }
      %scan3A_117 = arith.constant 64 : i32
      %lt3A_118 = arith.constant 0 : i32
      %lt3A_119 = vector.broadcast %lt3A_118 : i32 to vector<16xi32>
      %lt3A_120 = arith.cmpi slt, %xor3A_33, %lt3A_119 : vector<16xi32>
      %add3A_121 = arith.constant 16 : i32
      %add3A_122 = vector.broadcast %add3A_121 : i32 to vector<16xi32>
      %add3A_123 = arith.addi %xor3A_33, %add3A_122 : vector<16xi32>
      %select_n3A_124 = arith.select %lt3A_120, %add3A_123, %xor3A_33 : vector<16xi1>, vector<16xi32>
      %broadcast_in_dim3A_125 = vector.shape_cast %select_n3A_124 : vector<16xi32> to vector<16x1xi32>
      %gather3A = vector.shape_cast %broadcast_in_dim3A_125 : vector<16x1xi32> to vector<16xi32>
      %gather3A_126 = tpu.dynamic_gather %scan3A_116[%gather3A] in [0] : vector<16xf32>, vector<16xi32> -> vector<16xf32>
      %add3A_127 = arith.addf %scan3A_116, %gather3A_126 : vector<16xf32>
      %lt3A_128 = arith.constant 0 : i32
      %lt3A_129 = vector.broadcast %lt3A_128 : i32 to vector<16xi32>
      %lt3A_130 = arith.cmpi slt, %xor3A_36, %lt3A_129 : vector<16xi32>
      %add3A_131 = arith.constant 16 : i32
      %add3A_132 = vector.broadcast %add3A_131 : i32 to vector<16xi32>
      %add3A_133 = arith.addi %xor3A_36, %add3A_132 : vector<16xi32>
      %select_n3A_134 = arith.select %lt3A_130, %add3A_133, %xor3A_36 : vector<16xi1>, vector<16xi32>
      %broadcast_in_dim3A_135 = vector.shape_cast %select_n3A_134 : vector<16xi32> to vector<16x1xi32>
      %gather3A_136 = vector.shape_cast %broadcast_in_dim3A_135 : vector<16x1xi32> to vector<16xi32>
      %gather3A_137 = tpu.dynamic_gather %add3A_127[%gather3A_136] in [0] : vector<16xf32>, vector<16xi32> -> vector<16xf32>
      %add3A_138 = arith.addf %add3A_127, %gather3A_137 : vector<16xf32>
      %lt3A_139 = arith.constant 0 : i32
      %lt3A_140 = vector.broadcast %lt3A_139 : i32 to vector<16xi32>
      %lt3A_141 = arith.cmpi slt, %xor3A_39, %lt3A_140 : vector<16xi32>
      %add3A_142 = arith.constant 16 : i32
      %add3A_143 = vector.broadcast %add3A_142 : i32 to vector<16xi32>
      %add3A_144 = arith.addi %xor3A_39, %add3A_143 : vector<16xi32>
      %select_n3A_145 = arith.select %lt3A_141, %add3A_144, %xor3A_39 : vector<16xi1>, vector<16xi32>
      %broadcast_in_dim3A_146 = vector.shape_cast %select_n3A_145 : vector<16xi32> to vector<16x1xi32>
      %gather3A_147 = vector.shape_cast %broadcast_in_dim3A_146 : vector<16x1xi32> to vector<16xi32>
      %gather3A_148 = tpu.dynamic_gather %add3A_138[%gather3A_147] in [0] : vector<16xf32>, vector<16xi32> -> vector<16xf32>
      %add3A_149 = arith.addf %add3A_138, %gather3A_148 : vector<16xf32>
      %lt3A_150 = arith.constant 0 : i32
      %lt3A_151 = vector.broadcast %lt3A_150 : i32 to vector<16xi32>
      %lt3A_152 = arith.cmpi slt, %xor3A_42, %lt3A_151 : vector<16xi32>
      %add3A_153 = arith.constant 16 : i32
      %add3A_154 = vector.broadcast %add3A_153 : i32 to vector<16xi32>
      %add3A_155 = arith.addi %xor3A_42, %add3A_154 : vector<16xi32>
      %select_n3A_156 = arith.select %lt3A_152, %add3A_155, %xor3A_42 : vector<16xi1>, vector<16xi32>
      %broadcast_in_dim3A_157 = vector.shape_cast %select_n3A_156 : vector<16xi32> to vector<16x1xi32>
      %gather3A_158 = vector.shape_cast %broadcast_in_dim3A_157 : vector<16x1xi32> to vector<16xi32>
      %gather3A_159 = tpu.dynamic_gather %add3A_149[%gather3A_158] in [0] : vector<16xf32>, vector<16xi32> -> vector<16xf32>
      %add3A_160 = arith.addf %add3A_149, %gather3A_159 : vector<16xf32>
      %add3A_161 = arith.addf %scan3A_56, %add3A_160 : vector<16xf32>
      %swap3A = arith.constant 0 : index
      %swap3A_162 = tpu.vector_load %arg9[%swap3A] {strides = array<i32>} : memref<16xf32, #tpu.memory_space<vmem>>, vector<16xf32>,
      tpu.vector_store %arg9[%swap3A], %add3A_161 {strides = array<i32>} : memref<16xf32, #tpu.memory_space<vmem>>, vector<16xf32>,
    } else {
    }
    %ne3A_63 = arith.constant 0 : i32
    %ne3A_64 = arith.cmpi ne, %select_n3A_30, %ne3A_63 : i32
    %convert_element_type3A_65 = arith.extui %ne3A_64 : i1 to i32
    %cond3A_66 = arith.constant 0 : i32
    %cond3A_67 = arith.cmpi ne, %convert_element_type3A_65, %cond3A_66 : i32
    scf.if %cond3A_67 {
      %swap3A = arith.constant 0 : index
      %swap3A_68 = tpu.vector_load %arg9[%swap3A] {strides = array<i32>} : memref<16xf32, #tpu.memory_space<vmem>>, vector<16xf32>,
      tpu.vector_store %arg9[%swap3A], %scan3A_56 {strides = array<i32>} : memref<16xf32, #tpu.memory_space<vmem>>, vector<16xf32>,
    } else {
    }
    "tpu.region"() ({
      %run_scoped3A = tpu.sem_alloc : memref<!tpu.dma_semaphore, #tpu.memory_space<semaphore_mem>>
      %dma_start3A = arith.constant 0 : i32
      %dma_start3A_68 = tpu.memref_slice %arg4[%add3A, %dma_start3A] : memref<32x16xf32, #tpu.memory_space<hbm>> -> memref<1x16xf32, #tpu.memory_space<hbm>>
      %dma_start3A_69 = tpu.memref_squeeze %dma_start3A_68 : memref<1x16xf32, #tpu.memory_space<hbm>> -> memref<16xf32, #tpu.memory_space<hbm>>
      %dma_start3A_70 = arith.constant 0 : i32
      %dma_start3A_71 = tpu.memref_slice %arg4[%add3A, %dma_start3A_70] : memref<32x16xf32, #tpu.memory_space<hbm>> -> memref<1x16xf32, #tpu.memory_space<hbm>>
      %dma_start3A_72 = tpu.memref_squeeze %dma_start3A_71 : memref<1x16xf32, #tpu.memory_space<hbm>> -> memref<16xf32, #tpu.memory_space<hbm>>
      tpu.enqueue_dma source(%arg9 : memref<16xf32, #tpu.memory_space<vmem>>) target(%dma_start3A_72 : memref<16xf32, #tpu.memory_space<hbm>>) target_semaphore(%run_scoped3A : memref<!tpu.dma_semaphore, #tpu.memory_space<semaphore_mem>>)
      %dma_wait3A = arith.constant 0 : i32
      %dma_wait3A_73 = tpu.memref_slice %arg4[%add3A, %dma_wait3A] : memref<32x16xf32, #tpu.memory_space<hbm>> -> memref<1x16xf32, #tpu.memory_space<hbm>>
      %dma_wait3A_74 = tpu.memref_squeeze %dma_wait3A_73 : memref<1x16xf32, #tpu.memory_space<hbm>> -> memref<16xf32, #tpu.memory_space<hbm>>
      %dma_wait3A_75 = arith.constant 0 : i32
      %dma_wait3A_76 = tpu.memref_slice %arg4[%add3A, %dma_wait3A_75] : memref<32x16xf32, #tpu.memory_space<hbm>> -> memref<1x16xf32, #tpu.memory_space<hbm>>
      %dma_wait3A_77 = tpu.memref_squeeze %dma_wait3A_76 : memref<1x16xf32, #tpu.memory_space<hbm>> -> memref<16xf32, #tpu.memory_space<hbm>>
      tpu.wait_dma2 semaphore(%run_scoped3A : memref<!tpu.dma_semaphore, #tpu.memory_space<semaphore_mem>>) src(%arg9 : memref<16xf32, #tpu.memory_space<vmem>>) dst(%dma_wait3A_77 : memref<16xf32, #tpu.memory_space<hbm>>)
      tpu.yield
    }) : () -> ()
    return
  }
}

module attributes {stable_mosaic.version = 14 : i64} {
  func.func @_tc_body(%arg0: i32, %arg1: i32, %arg2: memref<1x3x2048xf32, #tpu.memory_space<vmem>>, %arg3: memref<1x3x1024xf32, #tpu.memory_space<vmem>>, %arg4: memref<4x2xf32, #tpu.memory_space<smem>>, %arg5: memref<4x1xf32, #tpu.memory_space<smem>>, %arg6: memref<1x2048xf32, #tpu.memory_space<vmem>>) attributes {dimension_semantics = [#tpu.dimension_semantics<arbitrary>, #tpu.dimension_semantics<arbitrary>], iteration_bounds = array<i64: 4, 2>, scalar_prefetch = 0 : i64, scratch_operands = 1 : i64, tpu.core_type = #tpu.core_type<tc>, window_params = [{transform_indices = @transform_0, window_bounds = array<i64: 1, 3, 2048>}, {transform_indices = @transform_1, window_bounds = array<i64: 1, 3, 1024>}, {transform_indices = @transform_2, window_bounds = array<i64: 4, 2>}, {transform_indices = @transform_3, window_bounds = array<i64: 4, 1>}]} {
    %get3A = arith.constant 0 : index
    %get3A_0 = arith.constant 0 : index
    %get3A_1 = arith.constant 0 : index
    %get3A_2 = vector.load %arg2[%get3A, %get3A_0, %get3A_1] : memref<1x3x2048xf32, #tpu.memory_space<vmem>>, vector<1x1x2048xf32>
    %get3A_3 = vector.shape_cast %get3A_2 : vector<1x1x2048xf32> to vector<2048xf32>
    %broadcast_in_dim3A = vector.shape_cast %get3A_3 : vector<2048xf32> to vector<1x2048xf32>
    %get3A_4 = arith.constant 0 : index
    %get3A_5 = arith.constant 1 : index
    %get3A_6 = arith.constant 0 : index
    %get3A_7 = vector.load %arg2[%get3A_4, %get3A_5, %get3A_6] : memref<1x3x2048xf32, #tpu.memory_space<vmem>>, vector<1x1x2048xf32>
    %get3A_8 = vector.shape_cast %get3A_7 : vector<1x1x2048xf32> to vector<2048xf32>
    %broadcast_in_dim3A_9 = vector.shape_cast %get3A_8 : vector<2048xf32> to vector<1x2048xf32>
    %get3A_10 = arith.constant 0 : index
    %get3A_11 = arith.constant 2 : index
    %get3A_12 = arith.constant 0 : index
    %get3A_13 = vector.load %arg2[%get3A_10, %get3A_11, %get3A_12] : memref<1x3x2048xf32, #tpu.memory_space<vmem>>, vector<1x1x2048xf32>
    %get3A_14 = vector.shape_cast %get3A_13 : vector<1x1x2048xf32> to vector<2048xf32>
    %broadcast_in_dim3A_15 = vector.shape_cast %get3A_14 : vector<2048xf32> to vector<1x2048xf32>
    %get3A_16 = arith.constant 0 : index
    %get3A_17 = arith.constant 0 : index
    %get3A_18 = arith.constant 0 : index
    %get3A_19 = vector.load %arg3[%get3A_16, %get3A_17, %get3A_18] : memref<1x3x1024xf32, #tpu.memory_space<vmem>>, vector<1x1x1024xf32>
    %get3A_20 = vector.shape_cast %get3A_19 : vector<1x1x1024xf32> to vector<1024xf32>
    %broadcast_in_dim3A_21 = vector.shape_cast %get3A_20 : vector<1024xf32> to vector<1024x1xf32>
    %get3A_22 = arith.constant 0 : index
    %get3A_23 = arith.constant 1 : index
    %get3A_24 = arith.constant 0 : index
    %get3A_25 = vector.load %arg3[%get3A_22, %get3A_23, %get3A_24] : memref<1x3x1024xf32, #tpu.memory_space<vmem>>, vector<1x1x1024xf32>
    %get3A_26 = vector.shape_cast %get3A_25 : vector<1x1x1024xf32> to vector<1024xf32>
    %broadcast_in_dim3A_27 = vector.shape_cast %get3A_26 : vector<1024xf32> to vector<1024x1xf32>
    %get3A_28 = arith.constant 0 : index
    %get3A_29 = arith.constant 2 : index
    %get3A_30 = arith.constant 0 : index
    %get3A_31 = vector.load %arg3[%get3A_28, %get3A_29, %get3A_30] : memref<1x3x1024xf32, #tpu.memory_space<vmem>>, vector<1x1x1024xf32>
    %get3A_32 = vector.shape_cast %get3A_31 : vector<1x1x1024xf32> to vector<1024xf32>
    %broadcast_in_dim3A_33 = vector.shape_cast %get3A_32 : vector<1024xf32> to vector<1024x1xf32>
    %sub3A = vector.broadcast %broadcast_in_dim3A_21 : vector<1024x1xf32> to vector<1024x2048xf32>
    %sub3A_34 = vector.broadcast %broadcast_in_dim3A : vector<1x2048xf32> to vector<1024x2048xf32>
    %sub3A_35 = arith.subf %sub3A, %sub3A_34 : vector<1024x2048xf32>
    %sub3A_36 = vector.broadcast %broadcast_in_dim3A_27 : vector<1024x1xf32> to vector<1024x2048xf32>
    %sub3A_37 = vector.broadcast %broadcast_in_dim3A_9 : vector<1x2048xf32> to vector<1024x2048xf32>
    %sub3A_38 = arith.subf %sub3A_36, %sub3A_37 : vector<1024x2048xf32>
    %sub3A_39 = vector.broadcast %broadcast_in_dim3A_33 : vector<1024x1xf32> to vector<1024x2048xf32>
    %sub3A_40 = vector.broadcast %broadcast_in_dim3A_15 : vector<1x2048xf32> to vector<1024x2048xf32>
    %sub3A_41 = arith.subf %sub3A_39, %sub3A_40 : vector<1024x2048xf32>
    %mul3A = arith.mulf %sub3A_35, %sub3A_35 : vector<1024x2048xf32>
    %mul3A_42 = arith.mulf %sub3A_38, %sub3A_38 : vector<1024x2048xf32>
    %add3A = arith.addf %mul3A, %mul3A_42 : vector<1024x2048xf32>
    %mul3A_43 = arith.mulf %sub3A_41, %sub3A_41 : vector<1024x2048xf32>
    %add3A_44 = arith.addf %add3A, %mul3A_43 : vector<1024x2048xf32>
    %reduce_min3A = arith.constant dense<0x7F800000> : vector<1024xf32>
    %reduce_min3A_45 = vector.multi_reduction <minimumf>, %add3A_44, %reduce_min3A [1] : vector<1024x2048xf32> to vector<1024xf32>
    %reduce_sum3A = vector.shape_cast %reduce_min3A_45 : vector<1024xf32> to vector<1x1024xf32>
    %reduce_sum3A_46 = arith.constant dense<0.000000e+00> : vector<1xf32>
    %reduce_sum3A_47 = vector.multi_reduction <add>, %reduce_sum3A, %reduce_sum3A_46 [1] : vector<1x1024xf32> to vector<1xf32>
    %reduce_sum3A_48 = vector.shape_cast %reduce_sum3A_47 : vector<1xf32> to vector<1x1xf32>
    %reduce_sum3A_49 = vector.extract %reduce_sum3A_48[0, 0] : f32 from vector<1x1xf32>
    %swap3A = arith.index_cast %arg0 : i32 to index
    %swap3A_50 = arith.index_cast %arg1 : i32 to index
    %swap3A_51 = memref.load %arg4[%swap3A, %swap3A_50] : memref<4x2xf32, #tpu.memory_space<smem>>
    memref.store %reduce_sum3A_49, %arg4[%swap3A, %swap3A_50] : memref<4x2xf32, #tpu.memory_space<smem>>
    %reduce_min3A_52 = arith.constant dense<0x7F800000> : vector<2048xf32>
    %reduce_min3A_53 = vector.multi_reduction <minimumf>, %add3A_44, %reduce_min3A_52 [0] : vector<1024x2048xf32> to vector<2048xf32>
    %broadcast_in_dim3A_54 = vector.shape_cast %reduce_min3A_53 : vector<2048xf32> to vector<1x2048xf32>
    %eq3A = arith.constant 0 : i32
    %eq3A_55 = arith.cmpi eq, %arg1, %eq3A : i32
    %convert_element_type3A = arith.extui %eq3A_55 : i1 to i32
    %cond3A = arith.constant 0 : i32
    %cond3A_56 = arith.cmpi ne, %convert_element_type3A, %cond3A : i32
    scf.if %cond3A_56 {
      %swap3A_72 = arith.constant 0 : index
      %swap3A_73 = arith.constant 0 : index
      %swap3A_74 = vector.load %arg6[%swap3A_72, %swap3A_73] : memref<1x2048xf32, #tpu.memory_space<vmem>>, vector<1x2048xf32>
      tpu.vector_store %arg6[%swap3A_72, %swap3A_73], %broadcast_in_dim3A_54 {strides = array<i32>} : memref<1x2048xf32, #tpu.memory_space<vmem>>, vector<1x2048xf32>,
    } else {
    }
    %ne3A = arith.constant 0 : i32
    %ne3A_57 = arith.cmpi ne, %arg1, %ne3A : i32
    %convert_element_type3A_58 = arith.extui %ne3A_57 : i1 to i32
    %cond3A_59 = arith.constant 0 : i32
    %cond3A_60 = arith.cmpi ne, %convert_element_type3A_58, %cond3A_59 : i32
    scf.if %cond3A_60 {
      %get3A_72 = arith.constant 0 : index
      %get3A_73 = arith.constant 0 : index
      %get3A_74 = vector.load %arg6[%get3A_72, %get3A_73] : memref<1x2048xf32, #tpu.memory_space<vmem>>, vector<1x2048xf32>
      %min3A = arith.minimumf %get3A_74, %broadcast_in_dim3A_54 : vector<1x2048xf32>
      %swap3A_75 = arith.constant 0 : index
      %swap3A_76 = arith.constant 0 : index
      %swap3A_77 = vector.load %arg6[%swap3A_75, %swap3A_76] : memref<1x2048xf32, #tpu.memory_space<vmem>>, vector<1x2048xf32>
      tpu.vector_store %arg6[%swap3A_75, %swap3A_76], %min3A {strides = array<i32>} : memref<1x2048xf32, #tpu.memory_space<vmem>>, vector<1x2048xf32>,
    } else {
    }
    %get3A_61 = arith.constant 0 : index
    %get3A_62 = arith.constant 0 : index
    %get3A_63 = vector.load %arg6[%get3A_61, %get3A_62] : memref<1x2048xf32, #tpu.memory_space<vmem>>, vector<1x2048xf32>
    %reduce_sum3A_64 = vector.shape_cast %get3A_63 : vector<1x2048xf32> to vector<1x1x2048xf32>
    %reduce_sum3A_65 = arith.constant dense<0.000000e+00> : vector<1xf32>
    %reduce_sum3A_66 = vector.multi_reduction <add>, %reduce_sum3A_64, %reduce_sum3A_65 [1, 2] : vector<1x1x2048xf32> to vector<1xf32>
    %reduce_sum3A_67 = vector.shape_cast %reduce_sum3A_66 : vector<1xf32> to vector<1x1x1xf32>
    %reduce_sum3A_68 = vector.extract %reduce_sum3A_67[0, 0, 0] : f32 from vector<1x1x1xf32>
    %swap3A_69 = arith.index_cast %arg0 : i32 to index
    %swap3A_70 = arith.constant 0 : index
    %swap3A_71 = memref.load %arg5[%swap3A_69, %swap3A_70] : memref<4x1xf32, #tpu.memory_space<smem>>
    memref.store %reduce_sum3A_68, %arg5[%swap3A_69, %swap3A_70] : memref<4x1xf32, #tpu.memory_space<smem>>
    return
  }
  func.func @transform_0(%arg0: i32, %arg1: i32) -> (i32, i32, i32) {
    %c0_i32 = arith.constant 0 : i32
    %c0_i32_0 = arith.constant 0 : i32
    %c0_i32_1 = arith.constant 0 : i32
    return %arg0, %c0_i32, %c0_i32_0 : i32, i32, i32
  }
  func.func @transform_1(%arg0: i32, %arg1: i32) -> (i32, i32, i32) {
    %c0_i32 = arith.constant 0 : i32
    %c0_i32_0 = arith.constant 0 : i32
    return %arg0, %c0_i32, %arg1 : i32, i32, i32
  }
  func.func @transform_2(%arg0: i32, %arg1: i32) -> (i32, i32) {
    %c0_i32 = arith.constant 0 : i32
    %c0_i32_0 = arith.constant 0 : i32
    %c0_i32_1 = arith.constant 0 : i32
    return %c0_i32, %c0_i32_0 : i32, i32
  }
  func.func @transform_3(%arg0: i32, %arg1: i32) -> (i32, i32) {
    %c0_i32 = arith.constant 0 : i32
    %c0_i32_0 = arith.constant 0 : i32
    %c0_i32_1 = arith.constant 0 : i32
    return %c0_i32, %c0_i32_0 : i32, i32
  }
}

</mosaic_0001>

<sc_bundles>
// kernel: kernel.4.cloned.1.call-start
scs
__scs_entry_jumppad:
0x0: {  	(pc) =	sbr.rel $0x88, $3  }
0x1: {  	(tag) =	ssettag $0x0;
	lr =	simm.s32 $0x1  }
0x2: {  	[smem:$0x3F9F] =	sst lr;
	_ =	strace $0xD0000000  }
0x3: {  	_ = 	snop  }
0x4: {  	_ = 	snop  }
0x5: {  	_ = 	snop  }
0x6: {  	_ = 	snop  }
0x7: {  	_ = 	snop  }
__scs_overlays_trampoline_lowered:
0x8: {  	[smem:$0x3FAE] =	sst s0  }
0x9: {  	[smem:$0x3FAF] =	sst s1  }
0xa: {  	[smem:$0x3FB0] =	sst s2  }
0xb: {  	[smem:$0x3FB1] =	sst s3  }
0xc: {  	[smem:$0x3FB2] =	sst s4  }
0xd: {  	[smem:$0x3FB3] =	sst s5  }
0xe: {  	[smem:$0x3FB4] =	sst s6  }
0xf: {  	[smem:$0x3FB5] =	sst s7  }
0x10: {  	[smem:$0x3FB6] =	sst s8  }
0x11: {  	[smem:$0x3FB7] =	sst s9;
	s0 =	simm.s32 @!p0 $0x0  }
0x12: {  	s1 =	sld [smem:$0x3F9D];
	s0 =	simm.s32 @p0 $0x1  }
0x13: {  	[smem:$0x3FB8] =	sst s0;
	s0 =	simm.s32 @!p1 $0x0  }
0x14: {  	s2 =	sld [smem:$0x3F9C];
	s0 =	simm.s32 @p1 $0x1  }
0x15: {  	[smem:$0x3FB9] =	sst s0;
	s0 =	simm.s32 @!p2 $0x0  }
0x16: {  	s3 =	sld [smem:$0x3FDB];
	s0 =	simm.s32 @p2 $0x1  }
0x17: {  	s4 =	simm.s32 $0x1BF5;
	[smem:$0x3FBB] =	sst s0  }
0x18: {  	s0 =	sld [smem:$0x3F9E];
	_ =	swait.ge [sflag:s4], $0x0  }
0x19: {  	s7 =	sld [smem:$0x3F9F]  }
0x1a: {  	s8 =	sadd.s32 $0xFFFFE003, lr  }
0x1b: {  	s9 =	sadd.s32 $0xFFFFFEF7, lr;
	s5 =	simm.s32 $0xFFFFFFFF;
	p2 =	slt.u32 s8, $0xFFFFF086  }
0x1c: {  	p1 =	slt.u32 s9, $0xF7A;
	s5 =	simm.s32 @!p2 $0x0  }
0x1d: {  	s5 =	simm.s32 @p1 $0x1;
	p0 =	seq.s32 s7, s2  }
0x1e: {  	s7 =	smul.u32 @!p0 $0xF7A, s2;
	p2 =	seq.s32 @!p0 s5, $0x0  }
0x1f: {  	s9 =	smul.u32 $0xF7A, s1;
	s8 =	simm.s32 @!p0 $0x1BF5;
	p2 =	por !p2, p0  }
0x20: {  	[sflag:s8] =	ssyncset.s32 @!p0 $0xFFFFF086;
	s6 =	sadd.s32 @!p0 s3, s7;
	s7 =	simm.s32 @!p0 $0x108  }
0x21: {  	s3 =	sadd.s32 s3, s9;
	s6 =	sadd.s32 @!p0 $0x88, s6;
	s7 =	simm.s32 @p2 $0x1082  }
0x22: {  	[simem:s7], [sflag:s8] =	dma.local @!p0 [hbm:s6], $0xF7A  }
0x23: {  	s9 =	sor.u32 $0xD0000000, s2;
	s6 =	simm.s32 $0x108;
	_ =	swait.ge @!p0 [sflag:s8], $0x0  }
0x24: {  	s3 =	sadd.s32 $0x88, s3;
	s6 =	simm.s32 @!p1 $0x1082;
	[sflag:s4] =	ssyncset.s32 $0xFFFFF086  }
0x25: {  	[simem:s6], [sflag:s4] =	dma.local [hbm:s3], $0xF7A  }
0x26: {  	[smem:$0x3F9F] =	sst s1;
	(tag) =	ssettag s2;
	_ =	strace s9  }
0x27: {  	s1 =	sld [smem:$0x3FAF]  }
0x28: {  	s2 =	sld [smem:$0x3FB0]  }
0x29: {  	s4 =	sld [smem:$0x3FB2]  }
0x2a: {  	p0 =	seq.s32 s5, $0x0;
	s5 =	sld [smem:$0x3FB3]  }
0x2b: {  	s6 =	sld [smem:$0x3FB4]  }
0x2c: {  	s7 =	sld [smem:$0x3FB5]  }
0x2d: {  	s3 =	simm.s32 $0x108;
	s8 =	sld [smem:$0x3FB6]  }
0x2e: {  	s3 =	simm.s32 @!p0 $0x1082;
	s9 =	sld [smem:$0x3FB7]  }
0x2f: {  	lr =	sadd.s32 s0, s3;
	s0 =	sld [smem:$0x3FAE]  }
0x30: {  	s3 =	sld [smem:$0x3FB1]  }
0x31: {  	[smem:$0x3FBA] =	sst s10  }
0x32: {  	s10 =	sld [smem:$0x3FB8];
	_ =	sdelay $0x3  }
0x33: {  	p0 =	seq.s32 s10, $0x1;
	s10 =	sld [smem:$0x3FBA];
	_ =	sdelay $0x3  }
0x34: {  	[smem:$0x3FBA] =	sst s10  }
0x35: {  	s10 =	sld [smem:$0x3FB9];
	_ =	sdelay $0x3  }
0x36: {  	p1 =	seq.s32 s10, $0x1;
	s10 =	sld [smem:$0x3FBA];
	_ =	sdelay $0x3  }
0x37: {  	[smem:$0x3FBA] =	sst s10  }
0x38: {  	s10 =	sld [smem:$0x3FBB]  }
0x39: {  	_ = 	snop;
	(pc) =	sbr.ind lr, $3  }
0x3a: {  	_ = 	snop  }
0x3b: {  	_ = 	snop  }
0x3c: {  	p2 =	seq.s32 s10, $0x1;
	s10 =	sld [smem:$0x3FBA]  }
0x3d: {  	_ =	shalt  }
0x3e: {  	_ =	shalt  }
0x3f: {  	_ =	shalt  }
0x40: {  	_ =	shalt  }
0x41: {  	_ =	shalt  }
0x42: {  	_ =	shalt  }
0x43: {  	_ =	shalt  }
0x44: {  	_ =	shalt  }
0x45: {  	_ =	shalt  }
0x46: {  	_ =	shalt  }
0x47: {  	_ =	shalt  }
0x48: {  	_ =	shalt  }
0x49: {  	_ =	shalt  }
0x4a: {  	_ =	shalt  }
0x4b: {  	_ =	shalt  }
0x4c: {  	_ =	shalt  }
0x4d: {  	_ =	shalt  }
0x4e: {  	_ =	shalt  }
0x4f: {  	_ =	shalt  }
0x50: {  	_ =	shalt  }
0x51: {  	_ =	shalt  }
0x52: {  	_ =	shalt  }
0x53: {  	_ =	shalt  }
0x54: {  	_ =	shalt  }
0x55: {  	_ =	shalt  }
0x56: {  	_ =	shalt  }
0x57: {  	_ =	shalt  }
0x58: {  	_ =	shalt  }
0x59: {  	_ =	shalt  }
0x5a: {  	_ =	shalt  }
0x5b: {  	_ =	shalt  }
0x5c: {  	_ =	shalt  }
0x5d: {  	_ =	shalt  }
0x5e: {  	_ =	shalt  }
0x5f: {  	_ =	shalt  }
0x60: {  	_ =	shalt  }
0x61: {  	_ =	shalt  }
0x62: {  	_ =	shalt  }
0x63: {  	_ =	shalt  }
0x64: {  	_ =	shalt  }
0x65: {  	_ =	shalt  }
0x66: {  	_ =	shalt  }
0x67: {  	_ =	shalt  }
0x68: {  	_ =	shalt  }
0x69: {  	_ =	shalt  }
0x6a: {  	_ =	shalt  }
0x6b: {  	_ =	shalt  }
0x6c: {  	_ =	shalt  }
0x6d: {  	_ =	shalt  }
0x6e: {  	_ =	shalt  }
0x6f: {  	_ =	shalt  }
0x70: {  	_ =	shalt  }
0x71: {  	_ =	shalt  }
0x72: {  	_ =	shalt  }
0x73: {  	_ =	shalt  }
0x74: {  	_ =	shalt  }
0x75: {  	_ =	shalt  }
0x76: {  	_ =	shalt  }
0x77: {  	_ =	shalt  }
0x78: {  	_ =	shalt  }
0x79: {  	_ =	shalt  }
0x7a: {  	_ =	shalt  }
0x7b: {  	_ =	shalt  }
0x7c: {  	_ =	shalt  }
0x7d: {  	_ =	shalt  }
0x7e: {  	_ =	shalt  }
0x7f: {  	_ =	shalt  }
0x80: {  	_ =	shalt  }
0x81: {  	_ =	shalt  }
0x82: {  	_ =	shalt  }
0x83: {  	_ =	shalt  }
0x84: {  	_ =	shalt  }
0x85: {  	_ =	shalt  }
0x86: {  	_ =	shalt  }
0x87: {  	_ =	shalt  }
.Lfunc_end0:
.L_simem_size_0:
called_computation_lowered:
.L_overlay_start_0:
0x88: {  	s2 =	sld [smem:$0x3FD9]  }
0x89: {  	s3 =	sld [smem:$0x3FFE];
	_ =	sdelay $0x1  }
0x8a: {  	s1 =	srdreg.scid  }
0x8b: {  	s0 =	sand.u32 $0x1, s1  }
0x8c: {  	s16 =	sshll.u32 s0, $0xA;
	s2 =	sadd.s32 s3, s2  }
0x8d: {  	s2 =	sadd.s32 s2, s16  }
0x8e: {  	[smem:$0x3FC6] =	sst s2  }
0x8f: {  	_ = 	snop  }
0x90: {  	(tm) =	ssettm $0x1  }
0x91: {  	s17 =	sld [smem:$0x3FFB];
	_ =	sdelay $0x3  }
0x92: {  	_ =	strace s17  }
0x93: {  	s2 =	sld [smem:$0x3FFC];
	_ =	sdelay $0x3  }
0x94: {  	_ =	strace s2  }
0x95: {  	s2 =	sld [smem:$0x3FFD];
	_ =	sdelay $0x3  }
0x96: {  	_ =	strace s2  }
0x97: {  	_ =	strace $0x8FFFFFFF  }
0x98: {  	s18 =	sld [smem:$0x3FDB];
	_ =	sdelay $0x1  }
0x99: {  	s19 =	simm.s32 $_scs_section_size  }
0x9a: {  	s4 =	simm.s32 $_size__tile_overlayer_lowered;
	s5 =	simm.s32 $_tile_overlayer_lowered  }
0x9b: {  	s22 =	simm.s32 $0x1BFF;
	s21 =	sshll.u32 s5, $0x1;
	s2 =	sadd.s32 s19, s18  }
0x9c: {  	s6 =	simm.s32 $0x0;
	s20 =	sshll.u32 s4, $0x1;
	s4 =	sadd.s32 s21, s2  }
0x9d: {  	[timem:s6], [sflag:s22] =	dma.local [hbm:s4], s20  }
0x9e: {  	_ =	swait.ge [sflag:s22], s20  }
0x9f: {  	s3 =	ssub.s32 $0x0, s20;
	[sflag:s22] =	ssyncset.done $0x0  }
0xa0: {  	[sflag:s22] =	ssyncadd.s32 s3;
	_ =	sdelay $0x1  }
0xa1: {  	s23 =	simm.s32 $0x1B8B  }
0xa2: {  	_ =	swait.ge [sflag:s23], $0x1  }
0xa3: {  	[sflag:s23] =	ssyncset.done $0x0  }
0xa4: {  	s25 =	simm.s32 $0x1B8E;
	s24 =	sld [smem:$0x3FFE];
	[sflag:s23] =	ssyncadd.s32 $0xFFFFFFFF  }
0xa5: {  	s26 =	simm.s32 $execute0_lowered;
	[smem:$0x3FD2] =	sst s25  }
0xa6: {  	s4 =	sshll.u32 s26, $0x1;
	_ =	strace $0x80000046;
	[dreg:$0x1] =	wrdreg $0xFFFFFFFF  }
0xa7: {  	s28 =	simm.s32 $_size_execute0_lowered;
	s2 =	sadd.s32 s2, s4;
	[dreg:$0x0] =	wrdreg $0x0  }
0xa8: {  	s4 =	sshll.u32 s28, $0x1;
	[dreg:$0x2] =	wrdreg s2  }
0xa9: {  	[dreg:$0x3] =	wrdreg s4  }
0xaa: {  	[dreg:$0x4] =	wrdreg $0xC0  }
0xab: {  	_ =	task [dreg:s6], $0x5FFFF  }
0xac: {  	[dreg:$0x1] =	wrdreg $0xFFFFFFFF  }
0xad: {  	[dreg:$0x0] =	wrdreg $0x60  }
0xae: {  	[dreg:$0x2] =	wrdreg s24  }
0xaf: {  	[dreg:$0x3] =	wrdreg $0x44100  }
0xb0: {  	[dreg:$0x4] =	wrdreg $0x9  }
0xb1: {  	_ =	task.clear_ibuf [dreg:s6], $0x5FFFF;
	_ =	strace $0x90000046  }
0xb2: {  	s29 =	simm.s32 $0x9;
	_ =	strace $0x80000048  }
0xb3: {  	_ =	swait.ge [sflag:s29], $0x1  }
0xb4: {  	[sflag:s29] =	ssyncadd.s32 $0xFFFFFFFF  }
0xb5: {  	_ =	strace $0x90000048  }
0xb6: {  	_ =	sfence  }
0xb7: {  	s30 =	sld [smem:$0x0];
	_ =	sdelay $0x2  }
0xb8: {  	s31 =	sshll.u32 s1, $0xD;
	s1 =	sshrl.u32 s1, $0x2  }
0xb9: {  	s3 =	sand.u32 $0x4000, s31;
	s1 =	sadd.s32 s1, s30  }
0xba: {  	s0 =	sor.u32 s3, s0;
	s1 =	sshll.u32 s1, $0x11  }
0xbb: {  	s0 =	sor.u32 s1, s0  }
0xbc: {  	s0 =	sadd.s32 $0x8F2B, s0  }
0xbd: {  	[sflag:s0] =	ssyncadd.remote.s32 $0x1  }
0xbe: {  	_ =	sfence.sel $0xFFFF  }
0xbf: {  	[dreg:$0x0] =	wrdreg $0xFFFFFFFF;
	(pc) =	sbr.abs _section_cstart, $3  }
0xc0: {  	[dreg:$0x1] =	wrdreg $0xFFFFFFFF  }
0xc1: {  	_ =	task.clear_ibuf [dreg:s6], $0x2FFFF;
	_ =	strace $0x9FFFFFFF  }
0xc2: {  	(tm) =	ssettm $0x7FFFFFFF  }
0xc3: {  	_ =	shalt  }
tec
execute0_lowered:
.L_overlay_start_1:
0x0: {  	(tag) =	ssettag $0x1  }
0x1: {  	s0 =	srdreg.scid;
	s6 =	rddreg [dreg:$0x0]  }
0x2: {  	s3 =	simm.s32 $0x1;
	s8 =	rddreg [dreg:$0x1];
	s2 =	simm.s32 $0x0  }
0x3: {  	s16 =	simm.s32 $0x1800;
	s17 =	simm.s32 $0x2400;
	s18 =	simm.s32 $0x2800  }
0x4: {  	v0 =	vimm.s32 $0xEFCDAB89;
	s19 =	simm.s32 $0x2C00;
	s20 =	simm.s32 $0x3000;
	s21 =	simm.s32 $0x3400  }
0x5: {  	v1 =	vimm.s32 $0x67452301;
	v2 =	vimm.s32 $0xDCFE98BA;
	s22 =	simm.s32 $0x3800;
	s23 =	simm.s32 $0x3C00;
	s4 =	sand.u32 $0x1, s0  }
0x6: {  	v3 =	vimm.s32 $0x54761032;
	v4 =	vimm.s32 $0xBA98FEDC;
	s24 =	simm.s32 $0x4000;
	s0 =	stileid.u32;
	s1 =	sshll.u32 s4, $0x4  }
0x7: {  	v5 =	vimm.s32 $0x32107654;
	s26 =	simm.s32 $0x0;
	v0 =	vunpack.c.l.s4.s8 v0;
	v1 =	vunpack.c.l.s4.s8 v1;
	s7 =	sand.u32 $0x7, s0;
	s5 =	sor.u32 s0, s1  }
0x8: {  	v6 =	vimm.s32 $0xFEDCBA98;
	v7 =	vimm.s32 $0x76543210;
	[smem:$0x7FF] =	sst s2;
	p0 =	sne.s32 s7, $0x0;
	p1 =	seq.s32 s5, $0x0  }
0x9: {  	v6 =	vunpack.c.l.s4.s8 v6;
	s4 =	ssub.s32 $0x2, s4;
	s31 =	sshll.u32 s0, $0xA;
	v0 =	vunpack.c.0.s8.s32 v0;
	v1 =	vunpack.c.0.s8.s32 v1;
	p1 =	por !p0, !p1  }
0xa: {  	v2 =	vunpack.c.l.s4.s8 v2;
	v3 =	vunpack.c.l.s4.s8 v3;
	v7 =	vunpack.c.l.s4.s8 v7;
	s1 =	rddreg [dreg:$0x2];
	_ =	strace $0x80000047;
	p1 =	por !p1, !p1  }
0xb: {  	v4 =	vunpack.c.l.s4.s8 v4;
	s29 =	sshrl.u32 s4, $0x1;
	s9 =	sshrl.u32 s5, $0x3;
	v8 =	vcombine.low v1, v0;
	v0 =	vunpack.c.0.s8.s32 v6;
	s3 =	simm.s32 @!p1 $0x0  }
0xc: {  	v5 =	vunpack.c.l.s4.s8 v5;
	v2 =	vunpack.c.0.s8.s32 v2;
	s25 =	sshll.u32 s7, $0x8;
	s5 =	sshll.u32 s5, $0x1;
	v1 =	vunpack.c.0.s8.s32 v7;
	s3 =	ssub.s32 s9, s3  }
0xd: {  	v3 =	vunpack.c.0.s8.s32 v3;
	v4 =	vunpack.c.0.s8.s32 v4;
	s15 =	ssub.s32 s4, s29;
	s14 =	sadd.s32 s5, s6;
	v0 =	vand.u32 $0xF, v0;
	s9 =	smul.u32 $0x1800, s3  }
0xe: {  	v5 =	vunpack.c.0.s8.s32 v5;
	s15 =	smax.u32 s15, $0x1;
	s14 =	sadd.s32 $0x1200, s14;
	v7 =	vcombine.low v0, v1;
	v0 =	vmov s25;
	s25 =	simm.s32 $0x4400  }
.Ltmp0:
0xf: {  	v2 =	vcombine.low v3, v2;
	s10 =	sshrl.u32 s9, $0x3;
	s30 =	sshrl.u32 s9, $0x4;
	(pc) =	sbr.rel .LBB2_1-.Ltmp0, $4  }
0x10: {  	v6 =	vcombine.low v5, v4;
	[tilespmem:$0x1FFC0] =	vst v8;
	s10 =	sadd.s32 s10, s6;
	s5 =	sadd.s32 s6, s30;
	s6 =	sadd.s32 s31, s8  }
0x11: {  	v3 =	vimm.bf16 $+Inf;
	[tilespmem:$0x1FFD0] =	vst v2;
	s3 =	simm.s32 $0x1;
	s4 =	sadd.s32 $0x600, s10;
	s7 =	sadd.s32 $0x400, s6  }
0x12: {  	[tilespmem:$0x1FFE0] =	vst v6;
	s8 =	sadd.s32 $0x800, s6;
	s9 =	sadd.s32 $0xC00, s6;
	s10 =	sadd.s32 $0x1000, s6  }
0x13: {  	v4 =	vand.u32 $0xF, v8;
	v5 =	vand.u32 $0xF, v2;
	v6 =	vand.u32 $0xF, v6;
	[tilespmem:$0x1FFF0] =	vst v0;
	s11 =	sadd.s32 $0x1400, s6;
	s12 =	sadd.s32 $0x1800, s6;
	s13 =	sadd.s32 $0x1C00, s6  }
.LBB2_13:
0x14: {  	s26 =	sadd.s32 $0x1, s26  }
0x15: {  	p1 =	sne.s32 s26, s15  }
.Ltmp1:
0x16: {  	[tilespmem:$0x4400] =	vst v16;
	(pc) =	sbr.rel @!p1 .LBB2_14-.Ltmp1, $4  }
0x17: {  	[hbm4b:s14+s2] =	stream.linear.scatter [tilespmem:s25], [sflag:$0x1], $0x10, $0x38;
	[tilespmem:$0x4810] =	vst v63  }
0x18: {  	_ =	swait.ge [sflag:s3], $0x10  }
0x19: {  	[sflag:s3] =	ssyncset.done $0x0  }
0x1a: {  	v3 =	vimm.bf16 $+Inf;
	[sflag:s3] =	ssyncadd.s32 $0xFFFFFFF0  }
.LBB2_1:
0x1b: {  	[tilespmem:s2], [sflag:$0x1] =	stream.linear.gather [hbm4b:s4+s2], $0x1800, $0x38;
	[tilespmem:$0x4810] =	vst v63  }
0x1c: {  	_ =	swait.ge [sflag:s3], $0x1800  }
0x1d: {  	[sflag:s3] =	ssyncset.done $0x0  }
0x1e: {  	[sflag:s3] =	ssyncadd.s32 $0xFFFFE800  }
0x1f: {  	[tilespmem:s16], [sflag:$0x1] =	stream.linear.gather [hbm4b:s5+s2], $0xC00, $0x38;
	[tilespmem:$0x4810] =	vst v63  }
0x20: {  	_ =	swait.ge [sflag:s3], $0xC00  }
0x21: {  	[sflag:s3] =	ssyncset.done $0x0  }
0x22: {  	s28 =	simm.s32 $0x0;
	[sflag:s3] =	ssyncadd.s32 $0xFFFFF400  }
.LBB2_2:
0x23: {  	p1 =	sne.s32 s28, $0xFC0  }
.Ltmp2:
0x24: {  	_ = 	snop;
	(pc) =	sbr.rel @p1 .LBB2_2-.Ltmp2, $3  }
0x25: {  	_ =	sdelay $0x1  }
0x26: {  	s29 =	sshra.s32 s28, $0x2  }
0x27: {  	s28 =	sadd.s32 $0x40, s28;
	[tilespmem:s29+$0x2400] =	vst v3  }
0x28: {  	s28 =	simm.s32 $0x0;
	v16 =	vimm.f32 $0.0e+00  }
.LBB2_4:
0x29: {  	v0 =	vld [tilespmem:$0x1FFF0];
	_ =	sdelay $0x5  }
0x2a: {  	s29 =	sshll.u32 s28, $0x4  }
0x2b: {  	s29 =	sand.u32 $0x3FFFFFF0, s29  }
0x2c: {  	v12 =	vld.idx.msk [tilespmem:v0+s29+$0x0 ss:$0x1], $0xffff;
	_ =	sdelay $0x3  }
0x2d: {  	v11 =	vld.idx.msk [tilespmem:v0+s29+$0x800 ss:$0x1], $0xffff  }
0x2e: {  	v24 =	vimm.bf16 $+Inf;
	v20 =	vbroadcast v12, $0x0  }
0x2f: {  	v19 =	vimm.bf16 $+Inf;
	v10 =	vld.idx.msk [tilespmem:v0+s29+$0x1000 ss:$0x1], $0xffff;
	v23 =	vbroadcast v12, $0x1;
	v27 =	vbroadcast v12, $0x2  }
0x30: {  	v18 =	vimm.bf16 $+Inf;
	s29 =	simm.s32 $0x0;
	v28 =	vbroadcast v12, $0x3;
	v29 =	vbroadcast v12, $0x4  }
0x31: {  	[tilespmem:$0x1FFB0] =	vst v16;
	v16 =	vimm.bf16 $+Inf;
	v48 =	vld [tilespmem:s29+$0x2000];
	v30 =	vbroadcast v12, $0x5;
	v31 =	vbroadcast v12, $0x6  }
0x32: {  	v17 =	vimm.bf16 $+Inf;
	v46 =	vld [tilespmem:s29+$0x1800];
	v32 =	vbroadcast v12, $0x7;
	v26 =	vbroadcast v11, $0x0  }
0x33: {  	v13 =	vimm.bf16 $+Inf;
	v38 =	vld [tilespmem:s29+$0x1C00];
	v25 =	vbroadcast v11, $0x1;
	v22 =	vbroadcast v11, $0x2  }
0x34: {  	v14 =	vimm.bf16 $+Inf;
	v33 =	vbroadcast v11, $0x4;
	v35 =	vbroadcast v10, $0x7  }
0x35: {  	v15 =	vimm.bf16 $+Inf;
	v36 =	vbroadcast v10, $0x5;
	v37 =	vbroadcast v10, $0x6  }
0x36: {  	v39 =	vbroadcast v11, $0x6;
	v40 =	vbroadcast v11, $0x7;
	v50 =	vsub.bf16 v48, v35  }
0x37: {  	v41 =	vbroadcast v10, $0x4;
	v51 =	vsub.bf16 v48, v36;
	v9 =	vsub.bf16 v48, v37  }
0x38: {  	v43 =	vbroadcast v10, $0x3;
	v2 =	vsub.bf16 v46, v32;
	v52 =	vsub.bf16 v38, v40  }
0x39: {  	v34 =	vbroadcast v11, $0x5;
	v53 =	vsub.bf16 v48, v41;
	v1 =	vsub.bf16 v46, v31  }
0x3a: {  	v44 =	vbroadcast v10, $0x2;
	v0 =	vsub.bf16 v48, v43;
	v54 =	vsub.bf16 v38, v39  }
0x3b: {  	v45 =	vbroadcast v10, $0x1;
	v8 =	vsub.bf16 v46, v30;
	v47 =	vsub.bf16 v38, v34  }
0x3c: {  	v21 =	vbroadcast v11, $0x3;
	v55 =	vsub.bf16 v48, v44;
	v56 =	vsub.bf16 v46, v29  }
0x3d: {  	s30 =	simm.s32 $0x40;
	v42 =	vbroadcast v10, $0x0;
	v3 =	vsub.bf16 v48, v45;
	v49 =	vsub.bf16 v38, v33  }
.LBB2_5:
0x3e: {  	p1 =	sne.s32 s30, $0xFC0;
	v57 =	vsub.bf16 v46, v28;
	v9 =	vmul.bf16 v9, v9;
	v50 =	vmul.bf16 v50, v50  }
0x3f: {  	v48 =	vsub.bf16 v48, v42;
	v51 =	vmul.bf16 v51, v51;
	v2 =	vmul.bf16 v2, v2  }
0x40: {  	v58 =	vsub.bf16 v46, v27;
	v53 =	vmul.bf16 v53, v53;
	v52 =	vmul.bf16 v52, v52  }
0x41: {  	v59 =	vsub.bf16 v46, v23;
	v1 =	vmul.bf16 v1, v1;
	v54 =	vmul.bf16 v54, v54  }
0x42: {  	v46 =	vsub.bf16 v46, v20;
	v0 =	vmul.bf16 v0, v0;
	v8 =	vmul.bf16 v8, v8  }
0x43: {  	v60 =	vsub.bf16 v38, v26;
	v55 =	vmul.bf16 v55, v55;
	v56 =	vmul.bf16 v56, v56  }
0x44: {  	v61 =	vsub.bf16 v38, v25;
	v3 =	vmul.bf16 v3, v3;
	v48 =	vmul.bf16 v48, v48  }
0x45: {  	v62 =	vsub.bf16 v38, v22;
	v46 =	vmul.bf16 v46, v46;
	v60 =	vmul.bf16 v60, v60  }
0x46: {  	v38 =	vsub.bf16 v38, v21;
	v59 =	vmul.bf16 v59, v59;
	v61 =	vmul.bf16 v61, v61;
	v63 =	vld [tilespmem:s29+$0x2400]  }
0x47: {  	v58 =	vmul.bf16 v58, v58;
	v46 =	vadd.bf16 v60, v46;
	v60 =	vmul.bf16 v62, v62  }
0x48: {  	v57 =	vmul.bf16 v57, v57;
	v38 =	vmul.bf16 v38, v38;
	v59 =	vadd.bf16 v61, v59  }
0x49: {  	v61 =	vadd.bf16 v48, v46;
	v46 =	vadd.bf16 v60, v58;
	v48 =	vmul.bf16 v49, v49  }
0x4a: {  	v47 =	vmul.bf16 v47, v47;
	v38 =	vadd.bf16 v38, v57;
	v3 =	vadd.bf16 v3, v59  }
0x4b: {  	s31 =	sshra.s32 s30, $0x2;
	v55 =	vadd.bf16 v55, v46;
	v56 =	vadd.bf16 v48, v56;
	v49 =	vmin.bf16 v63, v61  }
0x4c: {  	v8 =	vadd.bf16 v47, v8;
	v0 =	vadd.bf16 v0, v38;
	v48 =	vld [tilespmem:s31+$0x2000];
	v49 =	vmin.bf16 v49, v3  }
0x4d: {  	v1 =	vadd.bf16 v54, v1;
	v46 =	vld [tilespmem:s31+$0x1800];
	v47 =	vmin.bf16 v49, v55;
	v49 =	vadd.bf16 v53, v56  }
0x4e: {  	v2 =	vadd.bf16 v52, v2;
	v8 =	vadd.bf16 v51, v8;
	v38 =	vld [tilespmem:s31+$0x1C00];
	v47 =	vmin.bf16 v47, v0  }
0x4f: {  	v24 =	vmin.bf16 v24, v61;
	v56 =	vadd.bf16 v9, v1;
	v47 =	vmin.bf16 v47, v49  }
0x50: {  	v19 =	vmin.bf16 v19, v3;
	v3 =	vadd.bf16 v50, v2;
	v1 =	vmin.bf16 v47, v8  }
0x51: {  	v18 =	vmin.bf16 v18, v55;
	v50 =	vsub.bf16 v48, v35;
	v1 =	vmin.bf16 v1, v56  }
0x52: {  	v51 =	vsub.bf16 v48, v36;
	v9 =	vsub.bf16 v48, v37;
	v1 =	vmin.bf16 v1, v3  }
0x53: {  	v16 =	vmin.bf16 v16, v0;
	v2 =	vsub.bf16 v46, v32;
	v52 =	vsub.bf16 v38, v40;
	[tilespmem:s29+$0x2400] =	vst v1;
	s29 =	smov.u32 s31  }
.Ltmp3:
0x54: {  	v17 =	vmin.bf16 v17, v49;
	v53 =	vsub.bf16 v48, v41;
	v1 =	vsub.bf16 v46, v31;
	(pc) =	sbr.rel @p1 .LBB2_5-.Ltmp3, $4  }
0x55: {  	v13 =	vmin.bf16 v13, v8;
	v0 =	vsub.bf16 v48, v43;
	v54 =	vsub.bf16 v38, v39  }
0x56: {  	v14 =	vmin.bf16 v14, v56;
	v8 =	vsub.bf16 v46, v30;
	v47 =	vsub.bf16 v38, v34  }
0x57: {  	v15 =	vmin.bf16 v15, v3;
	v55 =	vsub.bf16 v48, v44;
	v56 =	vsub.bf16 v46, v29  }
0x58: {  	s30 =	sadd.s32 $0x40, s30;
	v3 =	vsub.bf16 v48, v45;
	v49 =	vsub.bf16 v38, v33  }
0x59: {  	v9 =	vmul.bf16 v9, v9;
	v29 =	vmul.bf16 v50, v50  }
0x5a: {  	v31 =	vmul.bf16 v51, v51;
	v2 =	vmul.bf16 v2, v2  }
0x5b: {  	v32 =	vmul.bf16 v53, v53;
	v33 =	vmul.bf16 v52, v52  }
0x5c: {  	v1 =	vmul.bf16 v1, v1;
	v34 =	vmul.bf16 v54, v54  }
0x5d: {  	v0 =	vmul.bf16 v0, v0;
	v8 =	vmul.bf16 v8, v8;
	v26 =	vsub.bf16 v38, v26  }
0x5e: {  	v35 =	vmul.bf16 v55, v55;
	v36 =	vmul.bf16 v56, v56;
	v25 =	vsub.bf16 v38, v25  }
0x5f: {  	v22 =	vsub.bf16 v38, v22;
	v21 =	vsub.bf16 v38, v21;
	v38 =	vbroadcast v12, $0x9  }
0x60: {  	v30 =	vsub.bf16 v48, v42;
	v41 =	vbroadcast v12, $0xB;
	v42 =	vbroadcast v12, $0xC  }
0x61: {  	v20 =	vsub.bf16 v46, v20;
	v43 =	vbroadcast v12, $0xD;
	v44 =	vbroadcast v12, $0xE  }
0x62: {  	v23 =	vsub.bf16 v46, v23;
	v45 =	vbroadcast v12, $0xF;
	v3 =	vmul.bf16 v3, v3  }
0x63: {  	v30 =	vmul.bf16 v30, v30;
	v20 =	vmul.bf16 v20, v20  }
0x64: {  	v27 =	vsub.bf16 v46, v27;
	v26 =	vmul.bf16 v26, v26;
	v23 =	vmul.bf16 v23, v23  }
0x65: {  	v28 =	vsub.bf16 v46, v28;
	v37 =	vld [tilespmem:s29+$0x2400];
	v25 =	vmul.bf16 v25, v25;
	v22 =	vmul.bf16 v22, v22  }
0x66: {  	v21 =	vmul.bf16 v21, v21;
	v20 =	vadd.bf16 v26, v20;
	v26 =	vmul.bf16 v27, v27  }
0x67: {  	v1 =	vadd.bf16 v34, v1;
	v23 =	vadd.bf16 v25, v23;
	v25 =	vmul.bf16 v28, v28  }
0x68: {  	v20 =	vadd.bf16 v30, v20;
	v22 =	vadd.bf16 v22, v26;
	v26 =	vmul.bf16 v49, v49  }
0x69: {  	v3 =	vadd.bf16 v3, v23;
	v21 =	vadd.bf16 v21, v25;
	v23 =	vmul.bf16 v47, v47  }
0x6a: {  	v25 =	vmin.bf16 v37, v20;
	v22 =	vadd.bf16 v35, v22;
	v26 =	vadd.bf16 v26, v36  }
0x6b: {  	v0 =	vadd.bf16 v0, v21;
	v8 =	vadd.bf16 v23, v8;
	v20 =	vmin.bf16 v24, v20  }
0x6c: {  	v25 =	vmin.bf16 v25, v3;
	v24 =	vand.u32 $0xFFFF0000, v20;
	v20 =	vshll.u32 v20, $0x10  }
0x6d: {  	v3 =	vmin.bf16 v19, v3;
	v21 =	vmin.bf16 v25, v22;
	v23 =	vadd.bf16 v32, v26  }
0x6e: {  	v20 =	vmin.f32 v20, v24;
	v19 =	vand.u32 $0xFFFF0000, v3;
	v21 =	vmin.bf16 v21, v0  }
0x6f: {  	v3 =	vshll.u32 v3, $0x10;
	v24 =	vmin.bf16 v21, v23;
	v21 =	vperm.xlane v20, v4  }
0x70: {  	v1 =	vadd.bf16 v9, v1;
	v8 =	vadd.bf16 v31, v8;
	v3 =	vmin.f32 v3, v19  }
0x71: {  	v18 =	vmin.bf16 v18, v22;
	v19 =	vperm.xlane v3, v4;
	v9 =	vmin.f32 v20, v21  }
0x72: {  	v21 =	vand.u32 $0xFFFF0000, v18;
	v18 =	vshll.u32 v18, $0x10;
	v20 =	vperm.xlane v9, v5  }
0x73: {  	v0 =	vmin.bf16 v16, v0;
	v16 =	vmin.bf16 v17, v23;
	v17 =	vmin.f32 v18, v21  }
0x74: {  	v3 =	vmin.f32 v3, v19;
	v18 =	vperm.xlane v17, v4;
	v9 =	vmin.f32 v9, v20  }
0x75: {  	v19 =	vmin.bf16 v13, v8;
	v20 =	vperm.xlane v3, v5;
	v13 =	vperm.xlane v9, v6  }
0x76: {  	v17 =	vmin.f32 v17, v18;
	v18 =	vand.u32 $0xFFFF0000, v0;
	v0 =	vshll.u32 v0, $0x10  }
0x77: {  	v2 =	vadd.bf16 v33, v2;
	v3 =	vmin.f32 v3, v20;
	v0 =	vmin.f32 v0, v18  }
0x78: {  	v20 =	vperm.xlane v17, v5;
	v13 =	vmin.f32 v9, v13;
	v18 =	vperm.xlane v0, v4  }
0x79: {  	v9 =	vperm.xlane v3, v6;
	[tilespmem:$0x1FEE0] =	vst v13;
	v13 =	vperm.xlane v13, v7  }
0x7a: {  	v40 =	vbroadcast v11, $0x8;
	v2 =	vadd.bf16 v29, v2;
	v0 =	vmin.f32 v0, v18  }
0x7b: {  	v17 =	vmin.f32 v17, v20;
	[tilespmem:$0x1FEF0] =	vst v13;
	v13 =	vmin.f32 v3, v9;
	v18 =	vperm.xlane v0, v5  }
0x7c: {  	v21 =	vmin.bf16 v14, v1;
	v3 =	vperm.xlane v17, v6;
	[tilespmem:$0x1FF00] =	vst v13;
	v13 =	vperm.xlane v13, v7  }
0x7d: {  	v9 =	vmin.bf16 v15, v2;
	v0 =	vmin.f32 v0, v18;
	v18 =	vshll.u32 v19, $0x10  }
0x7e: {  	[tilespmem:$0x1FF10] =	vst v13;
	v13 =	vmin.f32 v17, v3;
	v3 =	vand.u32 $0xFFFF0000, v16;
	v16 =	vshll.u32 v16, $0x10  }
0x7f: {  	v17 =	vand.u32 $0xFFFF0000, v19;
	v19 =	vshll.u32 v21, $0x10;
	v3 =	vmin.f32 v16, v3  }
0x80: {  	v17 =	vmin.f32 v18, v17;
	v18 =	vand.u32 $0xFFFF0000, v21;
	v16 =	vperm.xlane v3, v4  }
0x81: {  	v18 =	vmin.f32 v19, v18;
	v19 =	vand.u32 $0xFFFF0000, v9;
	v9 =	vshll.u32 v9, $0x10  }
0x82: {  	v39 =	vbroadcast v11, $0x9;
	v46 =	vbroadcast v11, $0xC;
	v9 =	vmin.f32 v9, v19  }
0x83: {  	v48 =	vbroadcast v10, $0xF;
	v3 =	vmin.f32 v3, v16;
	v16 =	vperm.xlane v9, v4  }
0x84: {  	v19 =	vperm.xlane v0, v6;
	v22 =	vperm.xlane v3, v5  }
0x85: {  	v50 =	vbroadcast v10, $0xE;
	v52 =	vbroadcast v11, $0xE;
	v9 =	vmin.f32 v9, v16  }
0x86: {  	v25 =	vmin.f32 v0, v19;
	v0 =	vmin.f32 v3, v22;
	v3 =	vperm.xlane v9, v5  }
0x87: {  	v53 =	vbroadcast v11, $0xF;
	v16 =	vperm.xlane v0, v6  }
0x88: {  	v54 =	vbroadcast v10, $0xC;
	v56 =	vbroadcast v10, $0xB;
	v3 =	vmin.f32 v9, v3  }
0x89: {  	v55 =	vbroadcast v10, $0x8;
	v26 =	vmin.f32 v0, v16;
	v0 =	vperm.xlane v3, v6  }
0x8a: {  	v57 =	vbroadcast v10, $0xA;
	v58 =	vbroadcast v10, $0x9  }
0x8b: {  	v34 =	vbroadcast v12, $0x8;
	v3 =	vmin.f32 v3, v0;
	v0 =	vmin.bf16 v24, v8  }
0x8c: {  	v33 =	vimm.bf16 $+Inf;
	v21 =	vperm.xlane v18, v4;
	v0 =	vmin.bf16 v0, v1  }
0x8d: {  	v29 =	vimm.bf16 $+Inf;
	v20 =	vperm.xlane v17, v4;
	v0 =	vmin.bf16 v0, v2  }
0x8e: {  	v47 =	vbroadcast v11, $0xD;
	v49 =	vbroadcast v10, $0xD;
	v18 =	vmin.f32 v18, v21;
	[tilespmem:s29+$0x2400] =	vst v0;
	s29 =	simm.s32 $0x0  }
0x8f: {  	v17 =	vmin.f32 v17, v20;
	v21 =	vperm.xlane v18, v5;
	v9 =	vperm.xlane v25, v7;
	v61 =	vld [tilespmem:s29+$0x2000]  }
0x90: {  	v30 =	vimm.bf16 $+Inf;
	v10 =	vimm.bf16 $+Inf;
	v20 =	vperm.xlane v17, v5;
	v59 =	vld [tilespmem:s29+$0x1800]  }
0x91: {  	v37 =	vbroadcast v11, $0xA;
	v18 =	vmin.f32 v18, v21;
	[tilespmem:$0x1FF40] =	vst v9;
	v9 =	vperm.xlane v26, v7;
	v51 =	vld [tilespmem:s29+$0x1C00]  }
0x92: {  	v35 =	vbroadcast v11, $0xB;
	[tilespmem:$0x1FF20] =	vst v13;
	v17 =	vmin.f32 v17, v20;
	v20 =	vperm.xlane v18, v6  }
0x93: {  	v36 =	vimm.bf16 $+Inf;
	v11 =	vimm.bf16 $+Inf;
	v19 =	vperm.xlane v17, v6;
	[tilespmem:$0x1FF50] =	vst v9  }
0x94: {  	v9 =	vmin.f32 v18, v20;
	[tilespmem:$0x1FF90] =	vst v3;
	v3 =	vperm.xlane v3, v7;
	v63 =	vsub.bf16 v61, v48  }
0x95: {  	[tilespmem:$0x1FF70] =	vst v9;
	v9 =	vperm.xlane v9, v7;
	v1 =	vsub.bf16 v61, v49;
	v18 =	vsub.bf16 v61, v50  }
0x96: {  	v13 =	vperm.xlane v13, v7;
	[tilespmem:$0x1FFA0] =	vst v3;
	v8 =	vsub.bf16 v59, v45;
	v3 =	vsub.bf16 v51, v53  }
0x97: {  	v23 =	vmin.f32 v17, v19;
	[tilespmem:$0x1FF80] =	vst v9;
	v19 =	vsub.bf16 v61, v54;
	v9 =	vsub.bf16 v59, v44  }
0x98: {  	v32 =	vbroadcast v12, $0xA;
	v2 =	vsub.bf16 v61, v56;
	v20 =	vsub.bf16 v51, v52  }
0x99: {  	[tilespmem:$0x1FF30] =	vst v13;
	v13 =	vperm.xlane v23, v7;
	v17 =	vsub.bf16 v59, v43;
	v60 =	vsub.bf16 v51, v47  }
0x9a: {  	v31 =	vimm.bf16 $+Inf;
	v22 =	vsub.bf16 v61, v57;
	v24 =	vsub.bf16 v59, v42  }
0x9b: {  	s30 =	simm.s32 $0x40;
	v12 =	vimm.bf16 $+Inf;
	[tilespmem:$0x1FF60] =	vst v13;
	v0 =	vsub.bf16 v61, v58;
	v62 =	vsub.bf16 v51, v46  }
.LBB2_7:
0x9c: {  	p1 =	sne.s32 s30, $0xFC0;
	v27 =	vsub.bf16 v59, v41;
	v18 =	vmul.bf16 v18, v18;
	v63 =	vmul.bf16 v63, v63  }
0x9d: {  	v61 =	vsub.bf16 v61, v55;
	v1 =	vmul.bf16 v1, v1;
	v8 =	vmul.bf16 v8, v8  }
0x9e: {  	v28 =	vsub.bf16 v59, v32;
	v19 =	vmul.bf16 v19, v19;
	v3 =	vmul.bf16 v3, v3  }
0x9f: {  	v13 =	vsub.bf16 v59, v38;
	v9 =	vmul.bf16 v9, v9;
	v20 =	vmul.bf16 v20, v20  }
0xa0: {  	v59 =	vsub.bf16 v59, v34;
	v2 =	vmul.bf16 v2, v2;
	v17 =	vmul.bf16 v17, v17  }
0xa1: {  	v14 =	vsub.bf16 v51, v40;
	v22 =	vmul.bf16 v22, v22;
	v24 =	vmul.bf16 v24, v24  }
0xa2: {  	v15 =	vsub.bf16 v51, v39;
	v0 =	vmul.bf16 v0, v0;
	v61 =	vmul.bf16 v61, v61  }
0xa3: {  	v16 =	vsub.bf16 v51, v37;
	v59 =	vmul.bf16 v59, v59;
	v14 =	vmul.bf16 v14, v14  }
0xa4: {  	v51 =	vsub.bf16 v51, v35;
	v13 =	vmul.bf16 v13, v13;
	v15 =	vmul.bf16 v15, v15;
	v21 =	vld [tilespmem:s29+$0x2400]  }
0xa5: {  	v28 =	vmul.bf16 v28, v28;
	v16 =	vmul.bf16 v16, v16;
	v14 =	vadd.bf16 v14, v59  }
0xa6: {  	v13 =	vadd.bf16 v15, v13;
	v15 =	vmul.bf16 v27, v27;
	v27 =	vmul.bf16 v51, v51  }
0xa7: {  	v16 =	vadd.bf16 v16, v28;
	v28 =	vmul.bf16 v62, v62;
	v14 =	vadd.bf16 v61, v14  }
0xa8: {  	v0 =	vadd.bf16 v0, v13;
	v13 =	vadd.bf16 v27, v15;
	v15 =	vmul.bf16 v60, v60  }
0xa9: {  	s31 =	sshra.s32 s30, $0x2;
	v16 =	vadd.bf16 v22, v16;
	v22 =	vadd.bf16 v28, v24;
	v21 =	vmin.bf16 v21, v14  }
0xaa: {  	v2 =	vadd.bf16 v2, v13;
	v13 =	vadd.bf16 v15, v17;
	v61 =	vld [tilespmem:s31+$0x2000];
	v21 =	vmin.bf16 v21, v0  }
0xab: {  	v9 =	vadd.bf16 v20, v9;
	v17 =	vadd.bf16 v19, v22;
	v59 =	vld [tilespmem:s31+$0x1800];
	v15 =	vmin.bf16 v21, v16  }
0xac: {  	v13 =	vadd.bf16 v1, v13;
	v1 =	vadd.bf16 v3, v8;
	v51 =	vld [tilespmem:s31+$0x1C00];
	v15 =	vmin.bf16 v15, v2  }
0xad: {  	v33 =	vmin.bf16 v33, v14;
	v14 =	vadd.bf16 v18, v9;
	v3 =	vmin.bf16 v15, v17  }
0xae: {  	v36 =	vmin.bf16 v36, v0;
	v15 =	vadd.bf16 v63, v1;
	v0 =	vmin.bf16 v3, v13  }
0xaf: {  	v31 =	vmin.bf16 v31, v16;
	v63 =	vsub.bf16 v61, v48;
	v0 =	vmin.bf16 v0, v14  }
0xb0: {  	v1 =	vsub.bf16 v61, v49;
	v18 =	vsub.bf16 v61, v50;
	v0 =	vmin.bf16 v0, v15  }
0xb1: {  	v12 =	vmin.bf16 v12, v2;
	v8 =	vsub.bf16 v59, v45;
	v3 =	vsub.bf16 v51, v53;
	[tilespmem:s29+$0x2400] =	vst v0;
	s29 =	smov.u32 s31  }
.Ltmp4:
0xb2: {  	v29 =	vmin.bf16 v29, v17;
	v19 =	vsub.bf16 v61, v54;
	v9 =	vsub.bf16 v59, v44;
	(pc) =	sbr.rel @p1 .LBB2_7-.Ltmp4, $4  }
0xb3: {  	v30 =	vmin.bf16 v30, v13;
	v2 =	vsub.bf16 v61, v56;
	v20 =	vsub.bf16 v51, v52  }
0xb4: {  	v10 =	vmin.bf16 v10, v14;
	v17 =	vsub.bf16 v59, v43;
	v60 =	vsub.bf16 v51, v47  }
0xb5: {  	v22 =	vsub.bf16 v61, v57;
	v11 =	vmin.bf16 v11, v15;
	v24 =	vsub.bf16 v59, v42  }
0xb6: {  	s30 =	sadd.s32 $0x40, s30;
	v0 =	vsub.bf16 v61, v58;
	v62 =	vsub.bf16 v51, v46  }
0xb7: {  	v13 =	vmul.bf16 v18, v18  }
0xb8: {  	v18 =	vmul.bf16 v19, v19;
	v19 =	vsub.bf16 v59, v38;
	v28 =	vsub.bf16 v51, v39;
	_ =	sdelay $0x1  }
0xb9: {  	v19 =	vmul.bf16 v19, v19;
	v28 =	vmul.bf16 v28, v28  }
0xba: {  	v14 =	vsub.bf16 v59, v41;
	v15 =	vmul.bf16 v63, v63  }
0xbb: {  	v8 =	vmul.bf16 v8, v8;
	v0 =	vmul.bf16 v0, v0;
	v19 =	vadd.bf16 v28, v19  }
0xbc: {  	v3 =	vmul.bf16 v3, v3;
	v21 =	vsub.bf16 v59, v34;
	v27 =	vsub.bf16 v51, v40  }
0xbd: {  	v17 =	vmul.bf16 v17, v17;
	v54 =	vld [tilespmem:s29+$0x2400];
	v0 =	vadd.bf16 v0, v19;
	v19 =	vmul.bf16 v60, v60  }
0xbe: {  	v16 =	vsub.bf16 v61, v55;
	v34 =	vld [tilespmem:$0x1FF00];
	v21 =	vmul.bf16 v21, v21;
	v27 =	vmul.bf16 v27, v27  }
0xbf: {  	v9 =	vmul.bf16 v9, v9;
	v32 =	vsub.bf16 v59, v32;
	v28 =	vadd.bf16 v19, v17;
	v17 =	vld [tilespmem:$0x1FEE0]  }
0xc0: {  	v35 =	vsub.bf16 v51, v35;
	v16 =	vmul.bf16 v16, v16;
	v21 =	vadd.bf16 v27, v21;
	v19 =	vld [tilespmem:$0x1FEF0]  }
0xc1: {  	v20 =	vmul.bf16 v20, v20;
	v53 =	vsub.bf16 v51, v37;
	v55 =	vmul.bf16 v32, v32;
	v32 =	vld [tilespmem:$0x1FFB0]  }
0xc2: {  	v2 =	vmul.bf16 v2, v2;
	v57 =	vmul.bf16 v35, v35;
	v35 =	vld [tilespmem:$0x1FF10];
	v16 =	vadd.bf16 v16, v21  }
0xc3: {  	v37 =	vld [tilespmem:$0x1FF20];
	v56 =	vmul.bf16 v53, v53;
	v14 =	vmul.bf16 v14, v14  }
0xc4: {  	v3 =	vadd.bf16 v3, v8;
	v61 =	vmin.bf16 v54, v16;
	v8 =	vmin.bf16 v33, v16;
	v16 =	vld [tilespmem:$0x1FF30]  }
0xc5: {  	v58 =	vadd.bf16 v56, v55;
	v14 =	vadd.bf16 v57, v14;
	v17 =	vmin.f32 v17, v19  }
0xc6: {  	v22 =	vmul.bf16 v22, v22;
	v3 =	vadd.bf16 v15, v3;
	v15 =	vld [tilespmem:$0x1FF40];
	v17 =	vadd.f32 v17, v32  }
0xc7: {  	v9 =	vadd.bf16 v20, v9;
	v2 =	vadd.bf16 v2, v14;
	v14 =	vmin.f32 v34, v35  }
0xc8: {  	v24 =	vmul.bf16 v24, v24;
	v21 =	vadd.bf16 v22, v58;
	v14 =	vadd.f32 v14, v17;
	v17 =	vld [tilespmem:$0x1FF50]  }
0xc9: {  	v59 =	vmul.bf16 v62, v62;
	v9 =	vadd.bf16 v13, v9;
	v13 =	vmin.f32 v37, v16  }
0xca: {  	v39 =	vmin.bf16 v31, v21;
	v63 =	vmin.bf16 v61, v0;
	v13 =	vadd.f32 v13, v14  }
0xcb: {  	v38 =	vand.u32 $0xFFFF0000, v8;
	v8 =	vshll.u32 v8, $0x10;
	v15 =	vmin.f32 v25, v15  }
0xcc: {  	v0 =	vmin.bf16 v36, v0;
	v8 =	vmin.f32 v8, v38;
	v13 =	vadd.f32 v15, v13  }
0xcd: {  	v14 =	vshll.u32 v39, $0x10;
	v15 =	vperm.xlane v8, v4;
	v17 =	vmin.f32 v26, v17  }
0xce: {  	v13 =	vadd.f32 v17, v13;
	v17 =	vand.u32 $0xFFFF0000, v0;
	v0 =	vshll.u32 v0, $0x10  }
0xcf: {  	v8 =	vmin.f32 v8, v15;
	v0 =	vmin.f32 v0, v17;
	v17 =	vand.u32 $0xFFFF0000, v39  }
0xd0: {  	v15 =	vperm.xlane v8, v5;
	v14 =	vmin.f32 v14, v17;
	v17 =	vld [tilespmem:$0x1FF60]  }
0xd1: {  	v62 =	vadd.bf16 v59, v24  }
0xd2: {  	v10 =	vmin.bf16 v10, v9;
	v8 =	vmin.f32 v8, v15;
	v15 =	vperm.xlane v0, v4  }
0xd3: {  	v1 =	vmul.bf16 v1, v1;
	v18 =	vadd.bf16 v18, v62;
	v53 =	vand.u32 $0xFFFF0000, v10  }
0xd4: {  	v10 =	vshll.u32 v10, $0x10;
	v42 =	vperm.xlane v14, v4;
	v0 =	vmin.f32 v0, v15  }
0xd5: {  	v43 =	vld [tilespmem:$0x1FF80];
	v12 =	vmin.bf16 v12, v2;
	v15 =	vperm.xlane v0, v5;
	v17 =	vmin.f32 v23, v17  }
0xd6: {  	v1 =	vadd.bf16 v1, v28;
	v14 =	vmin.f32 v14, v42;
	v13 =	vadd.f32 v17, v13;
	v17 =	vld [tilespmem:$0x1FF70]  }
0xd7: {  	v46 =	vld [tilespmem:$0x1FFA0];
	v0 =	vmin.f32 v0, v15;
	v15 =	vand.u32 $0xFFFF0000, v12;
	v12 =	vshll.u32 v12, $0x10  }
0xd8: {  	v41 =	vperm.xlane v8, v6;
	v44 =	vperm.xlane v14, v5;
	v12 =	vmin.f32 v12, v15;
	v15 =	vld [tilespmem:$0x1FF90]  }
0xd9: {  	v11 =	vmin.bf16 v11, v3;
	v10 =	vmin.f32 v10, v53;
	v40 =	vmin.bf16 v30, v1  }
0xda: {  	v16 =	vmin.bf16 v29, v18;
	v8 =	vmin.f32 v8, v41;
	v14 =	vmin.f32 v14, v44  }
0xdb: {  	v45 =	vperm.xlane v0, v6;
	v48 =	vperm.xlane v12, v4;
	v17 =	vmin.f32 v17, v43  }
0xdc: {  	v47 =	vperm.xlane v14, v6;
	v13 =	vadd.f32 v17, v13;
	v17 =	vperm.xlane v8, v7  }
0xdd: {  	v0 =	vmin.f32 v0, v45;
	v12 =	vmin.f32 v12, v48;
	v15 =	vmin.f32 v15, v46  }
0xde: {  	v13 =	vadd.f32 v15, v13;
	v8 =	vmin.f32 v8, v17;
	v17 =	vperm.xlane v12, v5  }
0xdf: {  	v51 =	vand.u32 $0xFFFF0000, v16;
	v14 =	vmin.f32 v14, v47;
	v15 =	vperm.xlane v0, v7  }
0xe0: {  	v49 =	vperm.xlane v14, v7;
	v8 =	vadd.f32 v8, v13;
	v12 =	vmin.f32 v12, v17  }
0xe1: {  	v0 =	vmin.f32 v0, v15;
	v15 =	vshll.u32 v16, $0x10;
	v50 =	vperm.xlane v12, v6  }
0xe2: {  	v0 =	vadd.f32 v0, v8;
	v8 =	vmin.f32 v14, v49;
	v14 =	vmin.f32 v15, v51  }
0xe3: {  	v16 =	vshll.u32 v40, $0x10;
	v15 =	vand.u32 $0xFFFF0000, v40;
	v52 =	vperm.xlane v14, v4  }
0xe4: {  	v12 =	vmin.f32 v12, v50;
	v15 =	vmin.f32 v16, v15;
	v0 =	vadd.f32 v8, v0  }
0xe5: {  	v8 =	vperm.xlane v12, v7;
	v16 =	vperm.xlane v15, v4;
	v13 =	vmin.f32 v14, v52  }
0xe6: {  	v19 =	vmin.bf16 v63, v21;
	v14 =	vperm.xlane v10, v4;
	v17 =	vperm.xlane v13, v5  }
0xe7: {  	v15 =	vmin.f32 v15, v16;
	v16 =	vand.u32 $0xFFFF0000, v11;
	v11 =	vshll.u32 v11, $0x10  }
0xe8: {  	v11 =	vmin.f32 v11, v16;
	v13 =	vmin.f32 v13, v17;
	v17 =	vperm.xlane v15, v5  }
0xe9: {  	v10 =	vmin.f32 v10, v14;
	v54 =	vperm.xlane v11, v4;
	v16 =	vperm.xlane v13, v6  }
0xea: {  	v8 =	vmin.f32 v12, v8;
	v55 =	vmin.f32 v15, v17;
	v15 =	vperm.xlane v10, v5  }
0xeb: {  	v11 =	vmin.f32 v11, v54;
	v13 =	vmin.f32 v13, v16;
	v16 =	vperm.xlane v55, v6  }
0xec: {  	v56 =	vperm.xlane v13, v7;
	v10 =	vmin.f32 v10, v15;
	v15 =	vperm.xlane v11, v5  }
0xed: {  	v0 =	vadd.f32 v8, v0;
	v8 =	vmin.f32 v55, v16;
	v57 =	vperm.xlane v10, v6  }
0xee: {  	v13 =	vmin.f32 v13, v56;
	v58 =	vperm.xlane v8, v7;
	v11 =	vmin.f32 v11, v15  }
0xef: {  	s28 =	sadd.s32 $0x1, s28;
	v0 =	vadd.f32 v13, v0;
	v10 =	vmin.f32 v10, v57;
	v59 =	vperm.xlane v11, v6  }
0xf0: {  	p1 =	sne.s32 s28, $0x10;
	v2 =	vmin.bf16 v19, v2;
	v8 =	vmin.f32 v8, v58;
	v60 =	vperm.xlane v10, v7  }
.Ltmp5:
0xf1: {  	v2 =	vmin.bf16 v2, v18;
	v0 =	vadd.f32 v8, v0;
	v8 =	vmin.f32 v11, v59;
	(pc) =	sbr.rel @p1 .LBB2_4-.Ltmp5, $4  }
0xf2: {  	v1 =	vmin.bf16 v2, v1;
	v61 =	vmin.f32 v10, v60;
	v62 =	vperm.xlane v8, v7  }
0xf3: {  	v1 =	vmin.bf16 v1, v9;
	v0 =	vadd.f32 v61, v0  }
0xf4: {  	v1 =	vmin.bf16 v1, v3;
	v63 =	vmin.f32 v8, v62  }
0xf5: {  	[tilespmem:s29+$0x2400] =	vst v1;
	v16 =	vadd.f32 v63, v0  }
0xf6: {  	[spmem:s6] =	stream.linear.scatter [tilespmem:s17], [sflag:$0x1], $0x400, $0x38;
	[tilespmem:$0x4810] =	vst v63  }
.Ltmp6:
0xf7: {  	_ =	swait.ge [sflag:s3], $0x400;
	(pc) =	sbr.rel @p0 .LBB2_13-.Ltmp6, $3  }
0xf8: {  	[sflag:s3] =	ssyncset.done $0x0  }
0xf9: {  	[sflag:s3] =	ssyncadd.s32 $0xFFFFFC00  }
0xfa: {  	[bflag:$0x0] =	sbarrier.arrive $0xFFFF;
	_ =	sdelay $0x1  }
0xfb: {  	[tilespmem:s18], [sflag:$0x1] =	stream.linear.gather [spmem:s7], $0x400, $0x38;
	[tilespmem:$0x4810] =	vst v63  }
0xfc: {  	_ =	swait.ge [sflag:s3], $0x400  }
0xfd: {  	[sflag:s3] =	ssyncset.done $0x0  }
0xfe: {  	[sflag:s3] =	ssyncadd.s32 $0xFFFFFC00  }
0xff: {  	[tilespmem:s19], [sflag:$0x1] =	stream.linear.gather [spmem:s8], $0x400, $0x38;
	[tilespmem:$0x4810] =	vst v63  }
0x100: {  	_ =	swait.ge [sflag:s3], $0x400  }
0x101: {  	[sflag:s3] =	ssyncset.done $0x0  }
0x102: {  	[sflag:s3] =	ssyncadd.s32 $0xFFFFFC00  }
0x103: {  	[tilespmem:s20], [sflag:$0x1] =	stream.linear.gather [spmem:s9], $0x400, $0x38;
	[tilespmem:$0x4810] =	vst v63  }
0x104: {  	_ =	swait.ge [sflag:s3], $0x400  }
0x105: {  	[sflag:s3] =	ssyncset.done $0x0  }
0x106: {  	[sflag:s3] =	ssyncadd.s32 $0xFFFFFC00  }
0x107: {  	[tilespmem:s21], [sflag:$0x1] =	stream.linear.gather [spmem:s10], $0x400, $0x38;
	[tilespmem:$0x4810] =	vst v63  }
0x108: {  	_ =	swait.ge [sflag:s3], $0x400  }
0x109: {  	[sflag:s3] =	ssyncset.done $0x0  }
0x10a: {  	[sflag:s3] =	ssyncadd.s32 $0xFFFFFC00  }
0x10b: {  	[tilespmem:s22], [sflag:$0x1] =	stream.linear.gather [spmem:s11], $0x400, $0x38;
	[tilespmem:$0x4810] =	vst v63  }
0x10c: {  	_ =	swait.ge [sflag:s3], $0x400  }
0x10d: {  	[sflag:s3] =	ssyncset.done $0x0  }
0x10e: {  	[sflag:s3] =	ssyncadd.s32 $0xFFFFFC00  }
0x10f: {  	[tilespmem:s23], [sflag:$0x1] =	stream.linear.gather [spmem:s12], $0x400, $0x38;
	[tilespmem:$0x4810] =	vst v63  }
0x110: {  	_ =	swait.ge [sflag:s3], $0x400  }
0x111: {  	[sflag:s3] =	ssyncset.done $0x0  }
0x112: {  	[sflag:s3] =	ssyncadd.s32 $0xFFFFFC00  }
0x113: {  	[tilespmem:s24], [sflag:$0x1] =	stream.linear.gather [spmem:s13], $0x400, $0x38;
	[tilespmem:$0x4810] =	vst v63  }
0x114: {  	_ =	swait.ge [sflag:s3], $0x400  }
0x115: {  	[sflag:s3] =	ssyncset.done $0x0  }
0x116: {  	s29 =	simm.s32 $0x0;
	[sflag:s3] =	ssyncadd.s32 $0xFFFFFC00  }
0x117: {  	v0 =	vld [tilespmem:s29+$0x2400]  }
0x118: {  	v3 =	vld [tilespmem:s29+$0x2800]  }
0x119: {  	v8 =	vld [tilespmem:s29+$0x2C00]  }
0x11a: {  	v10 =	vld [tilespmem:s29+$0x3000]  }
0x11b: {  	v2 =	vld [tilespmem:s29+$0x3400]  }
0x11c: {  	v1 =	vld [tilespmem:s29+$0x3800]  }
0x11d: {  	v0 =	vmin.bf16 v0, v3;
	v3 =	vld [tilespmem:s29+$0x3C00]  }
0x11e: {  	s28 =	simm.s32 $0x10;
	v11 =	vmin.bf16 v0, v8;
	v8 =	vld [tilespmem:s29+$0x4000]  }
0x11f: {  	v9 =	vld [tilespmem:s28+$0x2400];
	v0 =	vimm.f32 $0.0e+00;
	s29 =	simm.s32 $0x80;
	v10 =	vmin.bf16 v11, v10  }
.LBB2_11:
0x120: {  	p1 =	sne.s32 s29, $0xFC0;
	v11 =	vld [tilespmem:s28+$0x2800];
	v2 =	vmin.bf16 v10, v2  }
0x121: {  	v10 =	vld [tilespmem:s28+$0x2C00];
	v1 =	vmin.bf16 v2, v1  }
0x122: {  	v12 =	vld [tilespmem:s28+$0x3000];
	v1 =	vmin.bf16 v1, v3  }
.Ltmp7:
0x123: {  	v2 =	vld [tilespmem:s28+$0x3400];
	v3 =	vmin.bf16 v1, v8;
	(pc) =	sbr.rel @p1 .LBB2_11-.Ltmp7, $4  }
0x124: {  	v1 =	vld [tilespmem:s28+$0x3800];
	v8 =	vand.u32 $0xFFFF0000, v3;
	v13 =	vshll.u32 v3, $0x10  }
0x125: {  	v9 =	vmin.bf16 v9, v11;
	v3 =	vld [tilespmem:s28+$0x3C00];
	v11 =	vadd.f32 v8, v13  }
0x126: {  	v10 =	vmin.bf16 v9, v10;
	v8 =	vld [tilespmem:s28+$0x4000];
	s28 =	sshra.s32 s29, $0x2  }
0x127: {  	s29 =	sadd.s32 $0x40, s29;
	v9 =	vld [tilespmem:s28+$0x2400];
	v10 =	vmin.bf16 v10, v12;
	v0 =	vadd.f32 v11, v0  }
0x128: {  	v11 =	vld [tilespmem:s28+$0x2800]  }
0x129: {  	v12 =	vld [tilespmem:s28+$0x2C00]  }
0x12a: {  	v13 =	vld [tilespmem:s28+$0x3000]  }
0x12b: {  	v14 =	vld [tilespmem:s28+$0x3400]  }
0x12c: {  	v15 =	vld [tilespmem:s28+$0x3800]  }
0x12d: {  	v57 =	vld [tilespmem:s28+$0x3C00];
	v9 =	vmin.bf16 v9, v11  }
0x12e: {  	v2 =	vmin.bf16 v10, v2;
	v58 =	vld [tilespmem:s28+$0x4000];
	v9 =	vmin.bf16 v9, v12  }
0x12f: {  	v1 =	vmin.bf16 v2, v1;
	v59 =	vmin.bf16 v9, v13  }
0x130: {  	v1 =	vmin.bf16 v1, v3;
	v2 =	vmin.bf16 v59, v14  }
0x131: {  	v1 =	vmin.bf16 v1, v8;
	v2 =	vmin.bf16 v2, v15  }
0x132: {  	v3 =	vand.u32 $0xFFFF0000, v1;
	v1 =	vshll.u32 v1, $0x10;
	v2 =	vmin.bf16 v2, v57  }
0x133: {  	v1 =	vadd.f32 v3, v1;
	v2 =	vmin.bf16 v2, v58  }
0x134: {  	v61 =	vld [tilespmem:$0x1FFC0];
	v3 =	vand.u32 $0xFFFF0000, v2;
	v2 =	vshll.u32 v2, $0x10  }
0x135: {  	v0 =	vadd.f32 v1, v0;
	v60 =	vadd.f32 v3, v2;
	_ =	sdelay $0x1  }
0x136: {  	v0 =	vadd.f32 v60, v0  }
0x137: {  	v62 =	vld [tilespmem:$0x1FFD0]  }
0x138: {  	v1 =	vperm.xlane v0, v61;
	_ =	sdelay $0x1  }
0x139: {  	v0 =	vadd.f32 v1, v0  }
0x13a: {  	v63 =	vld [tilespmem:$0x1FFE0]  }
0x13b: {  	v1 =	vperm.xlane v0, v62;
	_ =	sdelay $0x1  }
0x13c: {  	v0 =	vadd.f32 v1, v0;
	_ =	sdelay $0x1  }
0x13d: {  	v1 =	vperm.xlane v0, v63;
	_ =	sdelay $0x1  }
0x13e: {  	v0 =	vadd.f32 v1, v0;
	_ =	sdelay $0x1  }
.Ltmp8:
0x13f: {  	v1 =	vperm.xlane v0, v7;
	(pc) =	sbr.rel .LBB2_13-.Ltmp8, $3  }
0x140: {  	_ = 	snop  }
0x141: {  	v0 =	vadd.f32 v1, v0;
	_ =	sdelay $0x1  }
0x142: {  	v16 =	vadd.f32 v0, v16  }
.LBB2_14:
0x143: {  	_ =	sfence.sel $0x180000  }
0x144: {  	[bflag:$0x0] =	sbarrier.arrive $0xFFFF  }
0x145: {  	p0 =	sne.s32 s0, $0x0;
	_ =	strace $0x90000047  }
0x146: {  	s0 =	sadd.s32 @!p0 $0x100000, s1;
	[bflag:$0x2] =	sbarrier.arrive $0xFFFF  }
0x147: {  	[sflag:s0] =	ssyncadd.tile.s32 @!p0 $0x1;
	_ =	shalt  }
.Lfunc_end2:
_tile_overlayer_lowered:
.L_overlay_start_2:
0x148: {  	(tag) =	ssettag $0x2  }
0x149: {  	s0 =	rddreg [dreg:$0x0];
	s2 =	stileid.u32  }
0x14a: {  	s1 =	rddreg [dreg:$0x1];
	p0 =	sne.s32 s2, $0x0  }
0x14b: {  	s3 =	rddreg [dreg:$0x2];
	[bflag:$0x3] =	sbarrier.arrive $0xFFFF;
	s2 =	simm.s32 @!p0 $0x1C01  }
0x14c: {  	[timem:s3], [sflag:s2] =	dma.local @!p0 [hbm:s0], s1  }
0x14d: {  	s0 =	simm.s32 @!p0 $0x1  }
0x14e: {  	_ =	swait.ge @!p0 [sflag:s0], s1  }
0x14f: {  	s1 =	ssub.s32 @!p0 $0x0, s1;
	[sflag:s0] =	ssyncset.done @!p0 $0x0  }
0x150: {  	[sflag:s0] =	ssyncadd.s32 @!p0 s1  }
0x151: {  	[bflag:$0x3] =	sbarrier.arrive $0xFFFF  }
0x152: {  	_ =	shalt  }

</sc_bundles>
